<compile_context>
chip_gen: v7x
topology: tpu7x:2x2x1
jax: 0.10.2.dev20260603
libtpu: 0.0.44.dev20260713+nightly
codegen_flags: <defaults>
</compile_context>

<pallas_src>
import functools

import jax
import jax.numpy as jnp
from jax import lax
from jax.experimental import pallas as pl
from jax.experimental.pallas import tpu as pltpu
from jax.experimental.pallas import tpu_sc as plsc

_BLK = 512
_CHUNK = 64


def _dotT(a, b):
    return lax.dot_general(a, b, (((1,), (1,)), ((), ())),
                           preferred_element_type=jnp.float32)



def _router_body(x_ref, gw_ref, gb_ref, pos_ref, w_ref, blk_ref, nblk_ref):
    x = x_ref[...]
    T = x.shape[0]
    E = gw_ref.shape[0]
    B = _BLK
    logits = _dotT(x, gw_ref[...])
    s = jax.nn.sigmoid(logits)
    sc = s + gb_ref[...]
    lane = lax.broadcasted_iota(jnp.int32, sc.shape, 1)
    m1 = jnp.max(sc, axis=1, keepdims=True)
    i1 = jnp.min(jnp.where(sc == m1, lane, E), axis=1, keepdims=True)
    first1 = lane == i1
    scm = jnp.where(first1, -jnp.inf, sc)
    m2 = jnp.max(scm, axis=1, keepdims=True)
    i2 = jnp.min(jnp.where(scm == m2, lane, E), axis=1, keepdims=True)
    first2 = lane == i2
    w1 = jnp.sum(jnp.where(first1, s, 0.0), axis=1, keepdims=True)
    w2 = jnp.sum(jnp.where(first2, s, 0.0), axis=1, keepdims=True)
    wsum = w1 + w2 + 1e-20
    w_ref[...] = jnp.concatenate([w1, w2], axis=1) / wsum

    I = jnp.concatenate([first1.astype(jnp.float32),
                         first2.astype(jnp.float32)], axis=0)
    A = 2 * T
    C = min(512, A)
    r = lax.broadcasted_iota(jnp.int32, (C, C), 0)
    c = lax.broadcasted_iota(jnp.int32, (C, C), 1)
    tril = (c <= r).astype(jnp.float32)
    off = jnp.zeros((1, E), jnp.float32)
    ranks = []
    for ch in range(A // C):
        blk = lax.slice(I, (ch * C, 0), ((ch + 1) * C, E))
        pre = lax.dot_general(tril, blk, (((1,), (0,)), ((), ())),
                              preferred_element_type=jnp.float32)
        ranks.append(pre + off)
        off = off + lax.slice(pre, (C - 1, 0), (C, E))
    rank = jnp.concatenate(ranks, axis=0)
    cnt = off
    pad = jnp.floor((cnt + (B - 1)) / B) * B
    er = lax.broadcasted_iota(jnp.int32, (E, E), 0)
    ec = lax.broadcasted_iota(jnp.int32, (E, E), 1)
    sut = (er < ec).astype(jnp.float32)
    base = lax.dot_general(pad, sut, (((1,), (0,)), ((), ())),
                           preferred_element_type=jnp.float32)
    pos = jnp.sum(I * (base + rank - 1.0), axis=1, keepdims=True)
    pos_ref[...] = pos.astype(jnp.int32)

    nb = jnp.sum(pad, axis=1, keepdims=True) / B
    nblk_ref[...] = nb.astype(jnp.int32)
    brow = lax.broadcasted_iota(jnp.int32, (32, 1), 0).astype(jnp.float32)
    base_blk = base / B
    blk_ref[...] = (jnp.sum((brow >= base_blk).astype(jnp.float32), axis=1,
                            keepdims=True) - 1.0).astype(jnp.int32)


def _router_plan(x, gate_w, gate_bias):
    T, H = x.shape
    E = gate_w.shape[0]
    A = 2 * T
    return pl.pallas_call(
        _router_body,
        grid=(1,),
        in_specs=[
            pl.BlockSpec((T, H), lambda i: (0, 0)),
            pl.BlockSpec((E, H), lambda i: (0, 0)),
            pl.BlockSpec((1, E), lambda i: (0, 0)),
        ],
        out_specs=[
            pl.BlockSpec((A, 1), lambda i: (0, 0)),
            pl.BlockSpec((T, 2), lambda i: (0, 0)),
            pl.BlockSpec((32, 1), lambda i: (0, 0)),
            pl.BlockSpec((1, 1), lambda i: (0, 0)),
        ],
        out_shape=[
            jax.ShapeDtypeStruct((A, 1), jnp.int32),
            jax.ShapeDtypeStruct((T, 2), jnp.float32),
            jax.ShapeDtypeStruct((32, 1), jnp.int32),
            jax.ShapeDtypeStruct((1, 1), jnp.int32),
        ],
    )(x, gate_w, gate_bias.reshape(1, E))



def _sc_permute(src, pos3, P, gather_src):
    H = src.shape[1]
    NW, NCH, CH = pos3.shape
    A = NW * NCH * CH
    T = A // 2
    CPT = A // NW
    mesh = plsc.VectorSubcoreMesh(core_axis_name="c", subcore_axis_name="s")
    info = plsc.get_sparse_core_info()
    NC = info.num_cores

    @functools.partial(
        pl.kernel, mesh=mesh,
        out_type=jax.ShapeDtypeStruct((P if not gather_src else A, H),
                                      jnp.float32),
        scratch_types=[
            pltpu.VMEM((NCH, CH), jnp.int32),
            pltpu.VMEM((NCH, CH), jnp.int32),
            pltpu.VMEM((CH, H), jnp.float32),
            pltpu.SemaphoreType.DMA,
        ],
    )
    def k(src_hbm, pos_hbm, out_hbm, pos_v, tok_v, rows_v, sem):
        wid = lax.axis_index("s") * NC + lax.axis_index("c")
        base = wid * CPT
        pltpu.sync_copy(pos_hbm.at[wid], pos_v)
        iota = lax.broadcasted_iota(jnp.int32, (16,), 0)
        for j in range(NCH):
            for q in range(CH // 16):
                a = base + j * CH + q * 16 + iota
                tok_v[j, pl.ds(q * 16, 16)] = lax.rem(a, T)
        for j in range(NCH):
            if gather_src:
                pltpu.async_copy(src_hbm.at[pos_v.at[j]], rows_v, sem).wait()
                pltpu.sync_copy(
                    rows_v, out_hbm.at[pl.ds(base + j * CH, CH)])
            else:
                pltpu.async_copy(src_hbm.at[tok_v.at[j]], rows_v, sem).wait()
                pltpu.async_copy(rows_v, out_hbm.at[pos_v.at[j]], sem).wait()

    return k(src, pos3)



def _grouped_body(blk_ref, nblk_ref, xs_ref, wg_ref, wu_ref, wd_ref, y_ref):
    b = pl.program_id(0)

    @pl.when(b < nblk_ref[0])
    def _():
        bf = jnp.bfloat16
        xs = xs_ref[...].astype(bf)
        g = _dotT(xs, wg_ref[0].astype(bf))
        u = _dotT(xs, wu_ref[0].astype(bf))
        h = (g * jax.nn.sigmoid(g) * u).astype(bf)
        y_ref[...] = _dotT(h, wd_ref[0].astype(bf))


def _grouped_matmul(x_sorted, blk_exp, nblk, w_gate, w_up, w_down, NB):
    P, H = x_sorted.shape
    E, F, _ = w_gate.shape

    def live(b, blk, nb):
        return jnp.minimum(b, nb[0] - 1)

    grid_spec = pltpu.PrefetchScalarGridSpec(
        num_scalar_prefetch=2,
        grid=(NB,),
        in_specs=[
            pl.BlockSpec((_BLK, H), lambda b, blk, nb: (live(b, blk, nb), 0)),
            pl.BlockSpec((1, F, H),
                         lambda b, blk, nb: (blk[live(b, blk, nb)], 0, 0)),
            pl.BlockSpec((1, F, H),
                         lambda b, blk, nb: (blk[live(b, blk, nb)], 0, 0)),
            pl.BlockSpec((1, H, F),
                         lambda b, blk, nb: (blk[live(b, blk, nb)], 0, 0)),
        ],
        out_specs=pl.BlockSpec((_BLK, H),
                               lambda b, blk, nb: (live(b, blk, nb), 0)),
    )
    return pl.pallas_call(
        _grouped_body,
        grid_spec=grid_spec,
        out_shape=jax.ShapeDtypeStruct((P, H), jnp.float32),
        compiler_params=pltpu.CompilerParams(
            dimension_semantics=("arbitrary",)),
    )(blk_exp, nblk, x_sorted, w_gate, w_up, w_down)



def _combine_body(p0_ref, p1_ref, w_ref, x_ref, wsg_ref, wsu_ref, wsd_ref,
                  out_ref):
    bf = jnp.bfloat16
    x = x_ref[...].astype(bf)
    gs = _dotT(x, wsg_ref[...].astype(bf))
    us = _dotT(x, wsu_ref[...].astype(bf))
    hs = (gs * jax.nn.sigmoid(gs) * us).astype(bf)
    shared = _dotT(hs, wsd_ref[...].astype(bf))
    w0 = w_ref[:, 0:1]
    w1 = w_ref[:, 1:2]
    out_ref[...] = shared + w0 * p0_ref[...] + w1 * p1_ref[...]


def _combine(pairs, wpair, x, ws_gate, ws_up, ws_down):
    T, H = x.shape
    SF = ws_gate.shape[0]
    TBS = min(1024, T)
    NT = T // TBS
    return pl.pallas_call(
        _combine_body,
        grid=(NT,),
        in_specs=[
            pl.BlockSpec((TBS, H), lambda t: (t, 0)),
            pl.BlockSpec((TBS, H), lambda t: (t + NT, 0)),
            pl.BlockSpec((TBS, 2), lambda t: (t, 0)),
            pl.BlockSpec((TBS, H), lambda t: (t, 0)),
            pl.BlockSpec((SF, H), lambda t: (0, 0)),
            pl.BlockSpec((SF, H), lambda t: (0, 0)),
            pl.BlockSpec((H, SF), lambda t: (0, 0)),
        ],
        out_specs=pl.BlockSpec((TBS, H), lambda t: (t, 0)),
        out_shape=jax.ShapeDtypeStruct((T, H), jnp.float32),
        compiler_params=pltpu.CompilerParams(
            dimension_semantics=("arbitrary",)),
    )(pairs, pairs, wpair, x, ws_gate, ws_up, ws_down)


def kernel(hidden_states, gate_w, gate_bias, w_gate, w_up, w_down,
           ws_gate, ws_up, ws_down):
    T, H = hidden_states.shape
    E = gate_w.shape[0]
    A = 2 * T
    NB = A // _BLK + E
    P = NB * _BLK

    pos, wpair, blk_exp, nblk = _router_plan(hidden_states, gate_w, gate_bias)
    CPT = A // 32
    CH = min(_CHUNK, CPT)
    pos3 = pos.reshape(32, CPT // CH, CH)
    x_sorted = _sc_permute(hidden_states, pos3, P, gather_src=False)
    y_sorted = _grouped_matmul(x_sorted, blk_exp.reshape(32), nblk.reshape(1),
                               w_gate, w_up, w_down, NB)
    pairs = _sc_permute(y_sorted, pos3, P, gather_src=True)
    return _combine(pairs, wpair, hidden_states, ws_gate, ws_up, ws_down)

# --- scband reference (transcript-rebuilt; emitter-appended) ---
"""Pipeline reference for scband-deepseek-mo-e-64699387347306 (READ-ONLY COPY).

The authoritative reference and input builder live on the scoring server;
editing this copy changes nothing except your own understanding.
"""

import jax, jax.numpy as jnp
import numpy as np

HIDDEN = 1024
N_EXPERTS = 8
TOP_K = 2
MOE_FF = 512
SHARED_FF = 512
TOKENS = 2048


def setup_inputs(seed: int = 0) -> dict:
    key = jax.random.key(seed)
    ks = jax.random.split(key, 10)
    x = jax.random.normal(ks[0], (TOKENS, HIDDEN), dtype=jnp.float32)
    gate_w = jax.random.normal(ks[1], (N_EXPERTS, HIDDEN), dtype=jnp.float32) * 0.02
    gate_bias = jax.random.normal(ks[2], (N_EXPERTS,), dtype=jnp.float32) * 0.01
    w_gate = jax.random.normal(ks[3], (N_EXPERTS, MOE_FF, HIDDEN), dtype=jnp.float32) * 0.02
    w_up = jax.random.normal(ks[4], (N_EXPERTS, MOE_FF, HIDDEN), dtype=jnp.float32) * 0.02
    w_down = jax.random.normal(ks[5], (N_EXPERTS, HIDDEN, MOE_FF), dtype=jnp.float32) * 0.02
    ws_gate = jax.random.normal(ks[6], (SHARED_FF, HIDDEN), dtype=jnp.float32) * 0.02
    ws_up = jax.random.normal(ks[7], (SHARED_FF, HIDDEN), dtype=jnp.float32) * 0.02
    ws_down = jax.random.normal(ks[8], (HIDDEN, SHARED_FF), dtype=jnp.float32) * 0.02
    return {"hidden_states": x, "gate_w": gate_w, "gate_bias": gate_bias,
            "w_gate": w_gate, "w_up": w_up, "w_down": w_down,
            "ws_gate": ws_gate, "ws_up": ws_up, "ws_down": ws_down}


def reference(hidden_states, gate_w, gate_bias, w_gate, w_up, w_down, ws_gate, ws_up, ws_down):
    x = hidden_states
    T = x.shape[0]
    E = gate_w.shape[0]
    # Router (noaux_tc top-k method): sigmoid scores + expert score correction bias
    logits = x @ gate_w.T                       # [T, E]
    scores = jax.nn.sigmoid(logits)             # [T, E]
    scores_for_choice = scores + gate_bias[None, :]
    _, topk_idx = jax.lax.top_k(scores_for_choice, TOP_K)          # [T, K]
    topk_w = jnp.take_along_axis(scores, topk_idx, axis=-1)        # [T, K] (original scores)
    topk_w = topk_w / (jnp.sum(topk_w, axis=-1, keepdims=True) + 1e-20)
    # Dense combine weights via scatter-add (SparseCore-friendly dispatch)
    route = jnp.zeros((T, E), dtype=x.dtype).at[jnp.arange(T)[:, None], topk_idx].add(topk_w)
    # Routed experts: SwiGLU MLPs
    g = jnp.einsum('td,efd->tef', x, w_gate)
    u = jnp.einsum('td,efd->tef', x, w_up)
    h = jax.nn.silu(g) * u
    y = jnp.einsum('tef,edf->ted', h, w_down)
    routed_out = jnp.einsum('te,ted->td', route, y)
    # Shared experts MLP (always applied)
    shared_out = (jax.nn.silu(x @ ws_gate.T) * (x @ ws_up.T)) @ ws_down.T
    return routed_out + shared_out

if __name__ == "__main__":
    import jax
    _d = setup_inputs()
    print(jax.jit(kernel)(*tuple(_d.values())))

</pallas_src>

<mosaic_0001>
#map = affine_map<(d0, d1) -> (0, 0)>
#map1 = affine_map<(d0, d1) -> (0, 0, 0)>
module attributes {stable_mosaic.version = 14 : i64} {
  func.func @k(%arg0: i32, %arg1: i32, %arg2: memref<8192x1024xf32, #tpu.memory_space<hbm>>, %arg3: memref<32x2x64xi32, #tpu.memory_space<hbm>>, %arg4: memref<4096x1024xf32, #tpu.memory_space<hbm>>, %arg5: memref<2x64xi32, #tpu.memory_space<vmem>>, %arg6: memref<2x64xi32, #tpu.memory_space<vmem>>, %arg7: memref<64x1024xf32, #tpu.memory_space<vmem>>, %arg8: memref<!tpu.dma_semaphore, #tpu.memory_space<semaphore_mem>>) attributes {dimension_semantics = [#tpu.dimension_semantics<core_parallel>, #tpu.dimension_semantics<subcore_parallel>], iteration_bounds = array<i64: 2, 16>, scalar_prefetch = 0 : i64, scratch_operands = 4 : i64, tpu.core_type = #tpu.core_type<sc_vector_subcore>, window_params = [{transform_indices = #map}, {transform_indices = #map1}, {transform_indices = #map}]} {
    %mul3A = arith.constant 2 : i32
    %mul3A_0 = arith.muli %arg1, %mul3A : i32
    %add3A = arith.addi %mul3A_0, %arg0 : i32
    %mul3A_1 = arith.constant 128 : i32
    %mul3A_2 = arith.muli %add3A, %mul3A_1 : i32
    "tpu.region"() ({
      %run_scoped3A = tpu.sem_alloc : memref<!tpu.dma_semaphore, #tpu.memory_space<semaphore_mem>>
      %dma_start3A_151 = arith.constant 0 : i32
      %dma_start3A_152 = arith.constant 0 : i32
      %dma_start3A_153 = tpu.memref_slice %arg3[%add3A, %dma_start3A_151, %dma_start3A_152] : memref<32x2x64xi32, #tpu.memory_space<hbm>> -> memref<1x2x64xi32, #tpu.memory_space<hbm>>
      %dma_start3A_154 = tpu.memref_squeeze %dma_start3A_153 : memref<1x2x64xi32, #tpu.memory_space<hbm>> -> memref<2x64xi32, #tpu.memory_space<hbm>>
      %dma_start3A_155 = arith.constant 0 : i32
      %dma_start3A_156 = arith.constant 0 : i32
      %dma_start3A_157 = tpu.memref_slice %arg3[%add3A, %dma_start3A_155, %dma_start3A_156] : memref<32x2x64xi32, #tpu.memory_space<hbm>> -> memref<1x2x64xi32, #tpu.memory_space<hbm>>
      %dma_start3A_158 = tpu.memref_squeeze %dma_start3A_157 : memref<1x2x64xi32, #tpu.memory_space<hbm>> -> memref<2x64xi32, #tpu.memory_space<hbm>>
      tpu.enqueue_dma source(%dma_start3A_158 : memref<2x64xi32, #tpu.memory_space<hbm>>) target(%arg5 : memref<2x64xi32, #tpu.memory_space<vmem>>) target_semaphore(%run_scoped3A : memref<!tpu.dma_semaphore, #tpu.memory_space<semaphore_mem>>)
      %dma_wait3A_159 = arith.constant 0 : i32
      %dma_wait3A_160 = arith.constant 0 : i32
      %dma_wait3A_161 = tpu.memref_slice %arg3[%add3A, %dma_wait3A_159, %dma_wait3A_160] : memref<32x2x64xi32, #tpu.memory_space<hbm>> -> memref<1x2x64xi32, #tpu.memory_space<hbm>>
      %dma_wait3A_162 = tpu.memref_squeeze %dma_wait3A_161 : memref<1x2x64xi32, #tpu.memory_space<hbm>> -> memref<2x64xi32, #tpu.memory_space<hbm>>
      %dma_wait3A_163 = arith.constant 0 : i32
      %dma_wait3A_164 = arith.constant 0 : i32
      %dma_wait3A_165 = tpu.memref_slice %arg3[%add3A, %dma_wait3A_163, %dma_wait3A_164] : memref<32x2x64xi32, #tpu.memory_space<hbm>> -> memref<1x2x64xi32, #tpu.memory_space<hbm>>
      %dma_wait3A_166 = tpu.memref_squeeze %dma_wait3A_165 : memref<1x2x64xi32, #tpu.memory_space<hbm>> -> memref<2x64xi32, #tpu.memory_space<hbm>>
      tpu.wait_dma2 semaphore(%run_scoped3A : memref<!tpu.dma_semaphore, #tpu.memory_space<semaphore_mem>>) src(%dma_wait3A_166 : memref<2x64xi32, #tpu.memory_space<hbm>>) dst(%arg5 : memref<2x64xi32, #tpu.memory_space<vmem>>)
      tpu.yield
    }) : () -> ()
    %iota3A = tpu.iota {dimensions = array<i32: 0>} : vector<16xi32>
    %add3A_3 = arith.constant 0 : i32
    %add3A_4 = arith.addi %mul3A_2, %add3A_3 : i32
    %add3A_5 = arith.constant 0 : i32
    %add3A_6 = arith.addi %add3A_4, %add3A_5 : i32
    %add3A_7 = vector.broadcast %add3A_6 : i32 to vector<16xi32>
    %add3A_8 = arith.addi %add3A_7, %iota3A : vector<16xi32>
    %rem3A = arith.constant 2048 : i32
    %rem3A_9 = vector.broadcast %rem3A : i32 to vector<16xi32>
    %rem3A_10 = arith.remsi %add3A_8, %rem3A_9 : vector<16xi32>
    %swap3A = arith.constant 0 : i32
    %swap3A_11 = arith.index_cast %swap3A : i32 to index
    %swap3A_12 = arith.constant 0 : index
    %swap3A_13 = tpu.vector_load %arg6[%swap3A_11, %swap3A_12] {strides = array<i32>} : memref<2x64xi32, #tpu.memory_space<vmem>>, vector<1x16xi32>,
    %swap3A_14 = vector.shape_cast %swap3A_13 : vector<1x16xi32> to vector<16xi32>
    %swap3A_15 = vector.shape_cast %rem3A_10 : vector<16xi32> to vector<1x16xi32>
    tpu.vector_store %arg6[%swap3A_11, %swap3A_12], %swap3A_15 {strides = array<i32>} : memref<2x64xi32, #tpu.memory_space<vmem>>, vector<1x16xi32>,
    %add3A_16 = arith.constant 0 : i32
    %add3A_17 = arith.addi %mul3A_2, %add3A_16 : i32
    %add3A_18 = arith.constant 16 : i32
    %add3A_19 = arith.addi %add3A_17, %add3A_18 : i32
    %add3A_20 = vector.broadcast %add3A_19 : i32 to vector<16xi32>
    %add3A_21 = arith.addi %add3A_20, %iota3A : vector<16xi32>
    %rem3A_22 = arith.constant 2048 : i32
    %rem3A_23 = vector.broadcast %rem3A_22 : i32 to vector<16xi32>
    %rem3A_24 = arith.remsi %add3A_21, %rem3A_23 : vector<16xi32>
    %swap3A_25 = arith.constant 0 : i32
    %swap3A_26 = arith.index_cast %swap3A_25 : i32 to index
    %swap3A_27 = arith.constant 16 : index
    %swap3A_28 = tpu.vector_load %arg6[%swap3A_26, %swap3A_27] {strides = array<i32>} : memref<2x64xi32, #tpu.memory_space<vmem>>, vector<1x16xi32>,
    %swap3A_29 = vector.shape_cast %swap3A_28 : vector<1x16xi32> to vector<16xi32>
    %swap3A_30 = vector.shape_cast %rem3A_24 : vector<16xi32> to vector<1x16xi32>
    tpu.vector_store %arg6[%swap3A_26, %swap3A_27], %swap3A_30 {strides = array<i32>} : memref<2x64xi32, #tpu.memory_space<vmem>>, vector<1x16xi32>,
    %add3A_31 = arith.constant 0 : i32
    %add3A_32 = arith.addi %mul3A_2, %add3A_31 : i32
    %add3A_33 = arith.constant 32 : i32
    %add3A_34 = arith.addi %add3A_32, %add3A_33 : i32
    %add3A_35 = vector.broadcast %add3A_34 : i32 to vector<16xi32>
    %add3A_36 = arith.addi %add3A_35, %iota3A : vector<16xi32>
    %rem3A_37 = arith.constant 2048 : i32
    %rem3A_38 = vector.broadcast %rem3A_37 : i32 to vector<16xi32>
    %rem3A_39 = arith.remsi %add3A_36, %rem3A_38 : vector<16xi32>
    %swap3A_40 = arith.constant 0 : i32
    %swap3A_41 = arith.index_cast %swap3A_40 : i32 to index
    %swap3A_42 = arith.constant 32 : index
    %swap3A_43 = tpu.vector_load %arg6[%swap3A_41, %swap3A_42] {strides = array<i32>} : memref<2x64xi32, #tpu.memory_space<vmem>>, vector<1x16xi32>,
    %swap3A_44 = vector.shape_cast %swap3A_43 : vector<1x16xi32> to vector<16xi32>
    %swap3A_45 = vector.shape_cast %rem3A_39 : vector<16xi32> to vector<1x16xi32>
    tpu.vector_store %arg6[%swap3A_41, %swap3A_42], %swap3A_45 {strides = array<i32>} : memref<2x64xi32, #tpu.memory_space<vmem>>, vector<1x16xi32>,
    %add3A_46 = arith.constant 0 : i32
    %add3A_47 = arith.addi %mul3A_2, %add3A_46 : i32
    %add3A_48 = arith.constant 48 : i32
    %add3A_49 = arith.addi %add3A_47, %add3A_48 : i32
    %add3A_50 = vector.broadcast %add3A_49 : i32 to vector<16xi32>
    %add3A_51 = arith.addi %add3A_50, %iota3A : vector<16xi32>
    %rem3A_52 = arith.constant 2048 : i32
    %rem3A_53 = vector.broadcast %rem3A_52 : i32 to vector<16xi32>
    %rem3A_54 = arith.remsi %add3A_51, %rem3A_53 : vector<16xi32>
    %swap3A_55 = arith.constant 0 : i32
    %swap3A_56 = arith.index_cast %swap3A_55 : i32 to index
    %swap3A_57 = arith.constant 48 : index
    %swap3A_58 = tpu.vector_load %arg6[%swap3A_56, %swap3A_57] {strides = array<i32>} : memref<2x64xi32, #tpu.memory_space<vmem>>, vector<1x16xi32>,
    %swap3A_59 = vector.shape_cast %swap3A_58 : vector<1x16xi32> to vector<16xi32>
    %swap3A_60 = vector.shape_cast %rem3A_54 : vector<16xi32> to vector<1x16xi32>
    tpu.vector_store %arg6[%swap3A_56, %swap3A_57], %swap3A_60 {strides = array<i32>} : memref<2x64xi32, #tpu.memory_space<vmem>>, vector<1x16xi32>,
    %add3A_61 = arith.constant 64 : i32
    %add3A_62 = arith.addi %mul3A_2, %add3A_61 : i32
    %add3A_63 = arith.constant 0 : i32
    %add3A_64 = arith.addi %add3A_62, %add3A_63 : i32
    %add3A_65 = vector.broadcast %add3A_64 : i32 to vector<16xi32>
    %add3A_66 = arith.addi %add3A_65, %iota3A : vector<16xi32>
    %rem3A_67 = arith.constant 2048 : i32
    %rem3A_68 = vector.broadcast %rem3A_67 : i32 to vector<16xi32>
    %rem3A_69 = arith.remsi %add3A_66, %rem3A_68 : vector<16xi32>
    %swap3A_70 = arith.constant 1 : i32
    %swap3A_71 = arith.index_cast %swap3A_70 : i32 to index
    %swap3A_72 = arith.constant 0 : index
    %swap3A_73 = tpu.vector_load %arg6[%swap3A_71, %swap3A_72] {strides = array<i32>} : memref<2x64xi32, #tpu.memory_space<vmem>>, vector<1x16xi32>,
    %swap3A_74 = vector.shape_cast %swap3A_73 : vector<1x16xi32> to vector<16xi32>
    %swap3A_75 = vector.shape_cast %rem3A_69 : vector<16xi32> to vector<1x16xi32>
    tpu.vector_store %arg6[%swap3A_71, %swap3A_72], %swap3A_75 {strides = array<i32>} : memref<2x64xi32, #tpu.memory_space<vmem>>, vector<1x16xi32>,
    %add3A_76 = arith.constant 64 : i32
    %add3A_77 = arith.addi %mul3A_2, %add3A_76 : i32
    %add3A_78 = arith.constant 16 : i32
    %add3A_79 = arith.addi %add3A_77, %add3A_78 : i32
    %add3A_80 = vector.broadcast %add3A_79 : i32 to vector<16xi32>
    %add3A_81 = arith.addi %add3A_80, %iota3A : vector<16xi32>
    %rem3A_82 = arith.constant 2048 : i32
    %rem3A_83 = vector.broadcast %rem3A_82 : i32 to vector<16xi32>
    %rem3A_84 = arith.remsi %add3A_81, %rem3A_83 : vector<16xi32>
    %swap3A_85 = arith.constant 1 : i32
    %swap3A_86 = arith.index_cast %swap3A_85 : i32 to index
    %swap3A_87 = arith.constant 16 : index
    %swap3A_88 = tpu.vector_load %arg6[%swap3A_86, %swap3A_87] {strides = array<i32>} : memref<2x64xi32, #tpu.memory_space<vmem>>, vector<1x16xi32>,
    %swap3A_89 = vector.shape_cast %swap3A_88 : vector<1x16xi32> to vector<16xi32>
    %swap3A_90 = vector.shape_cast %rem3A_84 : vector<16xi32> to vector<1x16xi32>
    tpu.vector_store %arg6[%swap3A_86, %swap3A_87], %swap3A_90 {strides = array<i32>} : memref<2x64xi32, #tpu.memory_space<vmem>>, vector<1x16xi32>,
    %add3A_91 = arith.constant 64 : i32
    %add3A_92 = arith.addi %mul3A_2, %add3A_91 : i32
    %add3A_93 = arith.constant 32 : i32
    %add3A_94 = arith.addi %add3A_92, %add3A_93 : i32
    %add3A_95 = vector.broadcast %add3A_94 : i32 to vector<16xi32>
    %add3A_96 = arith.addi %add3A_95, %iota3A : vector<16xi32>
    %rem3A_97 = arith.constant 2048 : i32
    %rem3A_98 = vector.broadcast %rem3A_97 : i32 to vector<16xi32>
    %rem3A_99 = arith.remsi %add3A_96, %rem3A_98 : vector<16xi32>
    %swap3A_100 = arith.constant 1 : i32
    %swap3A_101 = arith.index_cast %swap3A_100 : i32 to index
    %swap3A_102 = arith.constant 32 : index
    %swap3A_103 = tpu.vector_load %arg6[%swap3A_101, %swap3A_102] {strides = array<i32>} : memref<2x64xi32, #tpu.memory_space<vmem>>, vector<1x16xi32>,
    %swap3A_104 = vector.shape_cast %swap3A_103 : vector<1x16xi32> to vector<16xi32>
    %swap3A_105 = vector.shape_cast %rem3A_99 : vector<16xi32> to vector<1x16xi32>
    tpu.vector_store %arg6[%swap3A_101, %swap3A_102], %swap3A_105 {strides = array<i32>} : memref<2x64xi32, #tpu.memory_space<vmem>>, vector<1x16xi32>,
    %add3A_106 = arith.constant 64 : i32
    %add3A_107 = arith.addi %mul3A_2, %add3A_106 : i32
    %add3A_108 = arith.constant 48 : i32
    %add3A_109 = arith.addi %add3A_107, %add3A_108 : i32
    %add3A_110 = vector.broadcast %add3A_109 : i32 to vector<16xi32>
    %add3A_111 = arith.addi %add3A_110, %iota3A : vector<16xi32>
    %rem3A_112 = arith.constant 2048 : i32
    %rem3A_113 = vector.broadcast %rem3A_112 : i32 to vector<16xi32>
    %rem3A_114 = arith.remsi %add3A_111, %rem3A_113 : vector<16xi32>
    %swap3A_115 = arith.constant 1 : i32
    %swap3A_116 = arith.index_cast %swap3A_115 : i32 to index
    %swap3A_117 = arith.constant 48 : index
    %swap3A_118 = tpu.vector_load %arg6[%swap3A_116, %swap3A_117] {strides = array<i32>} : memref<2x64xi32, #tpu.memory_space<vmem>>, vector<1x16xi32>,
    %swap3A_119 = vector.shape_cast %swap3A_118 : vector<1x16xi32> to vector<16xi32>
    %swap3A_120 = vector.shape_cast %rem3A_114 : vector<16xi32> to vector<1x16xi32>
    tpu.vector_store %arg6[%swap3A_116, %swap3A_117], %swap3A_120 {strides = array<i32>} : memref<2x64xi32, #tpu.memory_space<vmem>>, vector<1x16xi32>,
    %dma_start3A = arith.constant 0 : i32
    %dma_start3A_121 = arith.constant 0 : i32
    %dma_start3A_122 = tpu.memref_slice %arg5[%dma_start3A, %dma_start3A_121] : memref<2x64xi32, #tpu.memory_space<vmem>> -> memref<1x64xi32, #tpu.memory_space<vmem>>
    %dma_start3A_123 = tpu.memref_squeeze %dma_start3A_122 : memref<1x64xi32, #tpu.memory_space<vmem>> -> memref<64xi32, #tpu.memory_space<vmem>>
    %dma_start3A_124 = arith.constant 0 : i32
    %dma_start3A_125 = arith.constant 0 : i32
    %dma_start3A_126 = tpu.memref_slice %arg2[%dma_start3A_124, %dma_start3A_125] : memref<8192x1024xf32, #tpu.memory_space<hbm>> -> memref<8192x1024xf32, #tpu.memory_space<hbm>>
    tpu.enqueue_indirect_dma source(%dma_start3A_126 : memref<8192x1024xf32, #tpu.memory_space<hbm>>) target(%arg7 : memref<64x1024xf32, #tpu.memory_space<vmem>>) offsets(%dma_start3A_123 : memref<64xi32, #tpu.memory_space<vmem>>) semaphore(%arg8 : memref<!tpu.dma_semaphore, #tpu.memory_space<semaphore_mem>>)
    %dma_wait3A = arith.constant 0 : i32
    %dma_wait3A_127 = arith.constant 0 : i32
    %dma_wait3A_128 = tpu.memref_slice %arg5[%dma_wait3A, %dma_wait3A_127] : memref<2x64xi32, #tpu.memory_space<vmem>> -> memref<1x64xi32, #tpu.memory_space<vmem>>
    %dma_wait3A_129 = tpu.memref_squeeze %dma_wait3A_128 : memref<1x64xi32, #tpu.memory_space<vmem>> -> memref<64xi32, #tpu.memory_space<vmem>>
    %dma_wait3A_130 = arith.constant 0 : i32
    %dma_wait3A_131 = arith.constant 0 : i32
    %dma_wait3A_132 = tpu.memref_slice %arg2[%dma_wait3A_130, %dma_wait3A_131] : memref<8192x1024xf32, #tpu.memory_space<hbm>> -> memref<8192x1024xf32, #tpu.memory_space<hbm>>
    tpu.wait_indirect_dma semaphore(%arg8 : memref<!tpu.dma_semaphore, #tpu.memory_space<semaphore_mem>>) src(%dma_wait3A_132 : memref<8192x1024xf32, #tpu.memory_space<hbm>>) dst(%arg7 : memref<64x1024xf32, #tpu.memory_space<vmem>>)
    %add3A_133 = arith.constant 0 : i32
    %add3A_134 = arith.addi %mul3A_2, %add3A_133 : i32
    "tpu.region"() ({
      %run_scoped3A = tpu.sem_alloc : memref<!tpu.dma_semaphore, #tpu.memory_space<semaphore_mem>>
      %dma_start3A_151 = arith.constant 0 : i32
      %dma_start3A_152 = tpu.memref_slice %arg4[%add3A_134, %dma_start3A_151] : memref<4096x1024xf32, #tpu.memory_space<hbm>> -> memref<64x1024xf32, #tpu.memory_space<hbm>>
      %dma_start3A_153 = arith.constant 0 : i32
      %dma_start3A_154 = tpu.memref_slice %arg4[%add3A_134, %dma_start3A_153] : memref<4096x1024xf32, #tpu.memory_space<hbm>> -> memref<64x1024xf32, #tpu.memory_space<hbm>>
      tpu.enqueue_dma source(%arg7 : memref<64x1024xf32, #tpu.memory_space<vmem>>) target(%dma_start3A_154 : memref<64x1024xf32, #tpu.memory_space<hbm>>) target_semaphore(%run_scoped3A : memref<!tpu.dma_semaphore, #tpu.memory_space<semaphore_mem>>)
      %dma_wait3A_155 = arith.constant 0 : i32
      %dma_wait3A_156 = tpu.memref_slice %arg4[%add3A_134, %dma_wait3A_155] : memref<4096x1024xf32, #tpu.memory_space<hbm>> -> memref<64x1024xf32, #tpu.memory_space<hbm>>
      %dma_wait3A_157 = arith.constant 0 : i32
      %dma_wait3A_158 = tpu.memref_slice %arg4[%add3A_134, %dma_wait3A_157] : memref<4096x1024xf32, #tpu.memory_space<hbm>> -> memref<64x1024xf32, #tpu.memory_space<hbm>>
      tpu.wait_dma2 semaphore(%run_scoped3A : memref<!tpu.dma_semaphore, #tpu.memory_space<semaphore_mem>>) src(%arg7 : memref<64x1024xf32, #tpu.memory_space<vmem>>) dst(%dma_wait3A_158 : memref<64x1024xf32, #tpu.memory_space<hbm>>)
      tpu.yield
    }) : () -> ()
    %dma_start3A_135 = arith.constant 1 : i32
    %dma_start3A_136 = arith.constant 0 : i32
    %dma_start3A_137 = tpu.memref_slice %arg5[%dma_start3A_135, %dma_start3A_136] : memref<2x64xi32, #tpu.memory_space<vmem>> -> memref<1x64xi32, #tpu.memory_space<vmem>>
    %dma_start3A_138 = tpu.memref_squeeze %dma_start3A_137 : memref<1x64xi32, #tpu.memory_space<vmem>> -> memref<64xi32, #tpu.memory_space<vmem>>
    %dma_start3A_139 = arith.constant 0 : i32
    %dma_start3A_140 = arith.constant 0 : i32
    %dma_start3A_141 = tpu.memref_slice %arg2[%dma_start3A_139, %dma_start3A_140] : memref<8192x1024xf32, #tpu.memory_space<hbm>> -> memref<8192x1024xf32, #tpu.memory_space<hbm>>
    tpu.enqueue_indirect_dma source(%dma_start3A_141 : memref<8192x1024xf32, #tpu.memory_space<hbm>>) target(%arg7 : memref<64x1024xf32, #tpu.memory_space<vmem>>) offsets(%dma_start3A_138 : memref<64xi32, #tpu.memory_space<vmem>>) semaphore(%arg8 : memref<!tpu.dma_semaphore, #tpu.memory_space<semaphore_mem>>)
    %dma_wait3A_142 = arith.constant 1 : i32
    %dma_wait3A_143 = arith.constant 0 : i32
    %dma_wait3A_144 = tpu.memref_slice %arg5[%dma_wait3A_142, %dma_wait3A_143] : memref<2x64xi32, #tpu.memory_space<vmem>> -> memref<1x64xi32, #tpu.memory_space<vmem>>
    %dma_wait3A_145 = tpu.memref_squeeze %dma_wait3A_144 : memref<1x64xi32, #tpu.memory_space<vmem>> -> memref<64xi32, #tpu.memory_space<vmem>>
    %dma_wait3A_146 = arith.constant 0 : i32
    %dma_wait3A_147 = arith.constant 0 : i32
    %dma_wait3A_148 = tpu.memref_slice %arg2[%dma_wait3A_146, %dma_wait3A_147] : memref<8192x1024xf32, #tpu.memory_space<hbm>> -> memref<8192x1024xf32, #tpu.memory_space<hbm>>
    tpu.wait_indirect_dma semaphore(%arg8 : memref<!tpu.dma_semaphore, #tpu.memory_space<semaphore_mem>>) src(%dma_wait3A_148 : memref<8192x1024xf32, #tpu.memory_space<hbm>>) dst(%arg7 : memref<64x1024xf32, #tpu.memory_space<vmem>>)
    %add3A_149 = arith.constant 64 : i32
    %add3A_150 = arith.addi %mul3A_2, %add3A_149 : i32
    "tpu.region"() ({
      %run_scoped3A = tpu.sem_alloc : memref<!tpu.dma_semaphore, #tpu.memory_space<semaphore_mem>>
      %dma_start3A_151 = arith.constant 0 : i32
      %dma_start3A_152 = tpu.memref_slice %arg4[%add3A_150, %dma_start3A_151] : memref<4096x1024xf32, #tpu.memory_space<hbm>> -> memref<64x1024xf32, #tpu.memory_space<hbm>>
      %dma_start3A_153 = arith.constant 0 : i32
      %dma_start3A_154 = tpu.memref_slice %arg4[%add3A_150, %dma_start3A_153] : memref<4096x1024xf32, #tpu.memory_space<hbm>> -> memref<64x1024xf32, #tpu.memory_space<hbm>>
      tpu.enqueue_dma source(%arg7 : memref<64x1024xf32, #tpu.memory_space<vmem>>) target(%dma_start3A_154 : memref<64x1024xf32, #tpu.memory_space<hbm>>) target_semaphore(%run_scoped3A : memref<!tpu.dma_semaphore, #tpu.memory_space<semaphore_mem>>)
      %dma_wait3A_155 = arith.constant 0 : i32
      %dma_wait3A_156 = tpu.memref_slice %arg4[%add3A_150, %dma_wait3A_155] : memref<4096x1024xf32, #tpu.memory_space<hbm>> -> memref<64x1024xf32, #tpu.memory_space<hbm>>
      %dma_wait3A_157 = arith.constant 0 : i32
      %dma_wait3A_158 = tpu.memref_slice %arg4[%add3A_150, %dma_wait3A_157] : memref<4096x1024xf32, #tpu.memory_space<hbm>> -> memref<64x1024xf32, #tpu.memory_space<hbm>>
      tpu.wait_dma2 semaphore(%run_scoped3A : memref<!tpu.dma_semaphore, #tpu.memory_space<semaphore_mem>>) src(%arg7 : memref<64x1024xf32, #tpu.memory_space<vmem>>) dst(%dma_wait3A_158 : memref<64x1024xf32, #tpu.memory_space<hbm>>)
      tpu.yield
    }) : () -> ()
    return
  }
}

#map = affine_map<(d0, d1) -> (0, 0)>
#map1 = affine_map<(d0, d1) -> (0, 0, 0)>
module attributes {stable_mosaic.version = 14 : i64} {
  func.func @k(%arg0: i32, %arg1: i32, %arg2: memref<2048x1024xf32, #tpu.memory_space<hbm>>, %arg3: memref<32x2x64xi32, #tpu.memory_space<hbm>>, %arg4: memref<8192x1024xf32, #tpu.memory_space<hbm>>, %arg5: memref<2x64xi32, #tpu.memory_space<vmem>>, %arg6: memref<2x64xi32, #tpu.memory_space<vmem>>, %arg7: memref<64x1024xf32, #tpu.memory_space<vmem>>, %arg8: memref<!tpu.dma_semaphore, #tpu.memory_space<semaphore_mem>>) attributes {dimension_semantics = [#tpu.dimension_semantics<core_parallel>, #tpu.dimension_semantics<subcore_parallel>], iteration_bounds = array<i64: 2, 16>, scalar_prefetch = 0 : i64, scratch_operands = 4 : i64, tpu.core_type = #tpu.core_type<sc_vector_subcore>, window_params = [{transform_indices = #map}, {transform_indices = #map1}, {transform_indices = #map}]} {
    %mul3A = arith.constant 2 : i32
    %mul3A_0 = arith.muli %arg1, %mul3A : i32
    %add3A = arith.addi %mul3A_0, %arg0 : i32
    %mul3A_1 = arith.constant 128 : i32
    %mul3A_2 = arith.muli %add3A, %mul3A_1 : i32
    "tpu.region"() ({
      %run_scoped3A = tpu.sem_alloc : memref<!tpu.dma_semaphore, #tpu.memory_space<semaphore_mem>>
      %dma_start3A_175 = arith.constant 0 : i32
      %dma_start3A_176 = arith.constant 0 : i32
      %dma_start3A_177 = tpu.memref_slice %arg3[%add3A, %dma_start3A_175, %dma_start3A_176] : memref<32x2x64xi32, #tpu.memory_space<hbm>> -> memref<1x2x64xi32, #tpu.memory_space<hbm>>
      %dma_start3A_178 = tpu.memref_squeeze %dma_start3A_177 : memref<1x2x64xi32, #tpu.memory_space<hbm>> -> memref<2x64xi32, #tpu.memory_space<hbm>>
      %dma_start3A_179 = arith.constant 0 : i32
      %dma_start3A_180 = arith.constant 0 : i32
      %dma_start3A_181 = tpu.memref_slice %arg3[%add3A, %dma_start3A_179, %dma_start3A_180] : memref<32x2x64xi32, #tpu.memory_space<hbm>> -> memref<1x2x64xi32, #tpu.memory_space<hbm>>
      %dma_start3A_182 = tpu.memref_squeeze %dma_start3A_181 : memref<1x2x64xi32, #tpu.memory_space<hbm>> -> memref<2x64xi32, #tpu.memory_space<hbm>>
      tpu.enqueue_dma source(%dma_start3A_182 : memref<2x64xi32, #tpu.memory_space<hbm>>) target(%arg5 : memref<2x64xi32, #tpu.memory_space<vmem>>) target_semaphore(%run_scoped3A : memref<!tpu.dma_semaphore, #tpu.memory_space<semaphore_mem>>)
      %dma_wait3A_183 = arith.constant 0 : i32
      %dma_wait3A_184 = arith.constant 0 : i32
      %dma_wait3A_185 = tpu.memref_slice %arg3[%add3A, %dma_wait3A_183, %dma_wait3A_184] : memref<32x2x64xi32, #tpu.memory_space<hbm>> -> memref<1x2x64xi32, #tpu.memory_space<hbm>>
      %dma_wait3A_186 = tpu.memref_squeeze %dma_wait3A_185 : memref<1x2x64xi32, #tpu.memory_space<hbm>> -> memref<2x64xi32, #tpu.memory_space<hbm>>
      %dma_wait3A_187 = arith.constant 0 : i32
      %dma_wait3A_188 = arith.constant 0 : i32
      %dma_wait3A_189 = tpu.memref_slice %arg3[%add3A, %dma_wait3A_187, %dma_wait3A_188] : memref<32x2x64xi32, #tpu.memory_space<hbm>> -> memref<1x2x64xi32, #tpu.memory_space<hbm>>
      %dma_wait3A_190 = tpu.memref_squeeze %dma_wait3A_189 : memref<1x2x64xi32, #tpu.memory_space<hbm>> -> memref<2x64xi32, #tpu.memory_space<hbm>>
      tpu.wait_dma2 semaphore(%run_scoped3A : memref<!tpu.dma_semaphore, #tpu.memory_space<semaphore_mem>>) src(%dma_wait3A_190 : memref<2x64xi32, #tpu.memory_space<hbm>>) dst(%arg5 : memref<2x64xi32, #tpu.memory_space<vmem>>)
      tpu.yield
    }) : () -> ()
    %iota3A = tpu.iota {dimensions = array<i32: 0>} : vector<16xi32>
    %add3A_3 = arith.constant 0 : i32
    %add3A_4 = arith.addi %mul3A_2, %add3A_3 : i32
    %add3A_5 = arith.constant 0 : i32
    %add3A_6 = arith.addi %add3A_4, %add3A_5 : i32
    %add3A_7 = vector.broadcast %add3A_6 : i32 to vector<16xi32>
    %add3A_8 = arith.addi %add3A_7, %iota3A : vector<16xi32>
    %rem3A = arith.constant 2048 : i32
    %rem3A_9 = vector.broadcast %rem3A : i32 to vector<16xi32>
    %rem3A_10 = arith.remsi %add3A_8, %rem3A_9 : vector<16xi32>
    %swap3A = arith.constant 0 : i32
    %swap3A_11 = arith.index_cast %swap3A : i32 to index
    %swap3A_12 = arith.constant 0 : index
    %swap3A_13 = tpu.vector_load %arg6[%swap3A_11, %swap3A_12] {strides = array<i32>} : memref<2x64xi32, #tpu.memory_space<vmem>>, vector<1x16xi32>,
    %swap3A_14 = vector.shape_cast %swap3A_13 : vector<1x16xi32> to vector<16xi32>
    %swap3A_15 = vector.shape_cast %rem3A_10 : vector<16xi32> to vector<1x16xi32>
    tpu.vector_store %arg6[%swap3A_11, %swap3A_12], %swap3A_15 {strides = array<i32>} : memref<2x64xi32, #tpu.memory_space<vmem>>, vector<1x16xi32>,
    %add3A_16 = arith.constant 0 : i32
    %add3A_17 = arith.addi %mul3A_2, %add3A_16 : i32
    %add3A_18 = arith.constant 16 : i32
    %add3A_19 = arith.addi %add3A_17, %add3A_18 : i32
    %add3A_20 = vector.broadcast %add3A_19 : i32 to vector<16xi32>
    %add3A_21 = arith.addi %add3A_20, %iota3A : vector<16xi32>
    %rem3A_22 = arith.constant 2048 : i32
    %rem3A_23 = vector.broadcast %rem3A_22 : i32 to vector<16xi32>
    %rem3A_24 = arith.remsi %add3A_21, %rem3A_23 : vector<16xi32>
    %swap3A_25 = arith.constant 0 : i32
    %swap3A_26 = arith.index_cast %swap3A_25 : i32 to index
    %swap3A_27 = arith.constant 16 : index
    %swap3A_28 = tpu.vector_load %arg6[%swap3A_26, %swap3A_27] {strides = array<i32>} : memref<2x64xi32, #tpu.memory_space<vmem>>, vector<1x16xi32>,
    %swap3A_29 = vector.shape_cast %swap3A_28 : vector<1x16xi32> to vector<16xi32>
    %swap3A_30 = vector.shape_cast %rem3A_24 : vector<16xi32> to vector<1x16xi32>
    tpu.vector_store %arg6[%swap3A_26, %swap3A_27], %swap3A_30 {strides = array<i32>} : memref<2x64xi32, #tpu.memory_space<vmem>>, vector<1x16xi32>,
    %add3A_31 = arith.constant 0 : i32
    %add3A_32 = arith.addi %mul3A_2, %add3A_31 : i32
    %add3A_33 = arith.constant 32 : i32
    %add3A_34 = arith.addi %add3A_32, %add3A_33 : i32
    %add3A_35 = vector.broadcast %add3A_34 : i32 to vector<16xi32>
    %add3A_36 = arith.addi %add3A_35, %iota3A : vector<16xi32>
    %rem3A_37 = arith.constant 2048 : i32
    %rem3A_38 = vector.broadcast %rem3A_37 : i32 to vector<16xi32>
    %rem3A_39 = arith.remsi %add3A_36, %rem3A_38 : vector<16xi32>
    %swap3A_40 = arith.constant 0 : i32
    %swap3A_41 = arith.index_cast %swap3A_40 : i32 to index
    %swap3A_42 = arith.constant 32 : index
    %swap3A_43 = tpu.vector_load %arg6[%swap3A_41, %swap3A_42] {strides = array<i32>} : memref<2x64xi32, #tpu.memory_space<vmem>>, vector<1x16xi32>,
    %swap3A_44 = vector.shape_cast %swap3A_43 : vector<1x16xi32> to vector<16xi32>
    %swap3A_45 = vector.shape_cast %rem3A_39 : vector<16xi32> to vector<1x16xi32>
    tpu.vector_store %arg6[%swap3A_41, %swap3A_42], %swap3A_45 {strides = array<i32>} : memref<2x64xi32, #tpu.memory_space<vmem>>, vector<1x16xi32>,
    %add3A_46 = arith.constant 0 : i32
    %add3A_47 = arith.addi %mul3A_2, %add3A_46 : i32
    %add3A_48 = arith.constant 48 : i32
    %add3A_49 = arith.addi %add3A_47, %add3A_48 : i32
    %add3A_50 = vector.broadcast %add3A_49 : i32 to vector<16xi32>
    %add3A_51 = arith.addi %add3A_50, %iota3A : vector<16xi32>
    %rem3A_52 = arith.constant 2048 : i32
    %rem3A_53 = vector.broadcast %rem3A_52 : i32 to vector<16xi32>
    %rem3A_54 = arith.remsi %add3A_51, %rem3A_53 : vector<16xi32>
    %swap3A_55 = arith.constant 0 : i32
    %swap3A_56 = arith.index_cast %swap3A_55 : i32 to index
    %swap3A_57 = arith.constant 48 : index
    %swap3A_58 = tpu.vector_load %arg6[%swap3A_56, %swap3A_57] {strides = array<i32>} : memref<2x64xi32, #tpu.memory_space<vmem>>, vector<1x16xi32>,
    %swap3A_59 = vector.shape_cast %swap3A_58 : vector<1x16xi32> to vector<16xi32>
    %swap3A_60 = vector.shape_cast %rem3A_54 : vector<16xi32> to vector<1x16xi32>
    tpu.vector_store %arg6[%swap3A_56, %swap3A_57], %swap3A_60 {strides = array<i32>} : memref<2x64xi32, #tpu.memory_space<vmem>>, vector<1x16xi32>,
    %add3A_61 = arith.constant 64 : i32
    %add3A_62 = arith.addi %mul3A_2, %add3A_61 : i32
    %add3A_63 = arith.constant 0 : i32
    %add3A_64 = arith.addi %add3A_62, %add3A_63 : i32
    %add3A_65 = vector.broadcast %add3A_64 : i32 to vector<16xi32>
    %add3A_66 = arith.addi %add3A_65, %iota3A : vector<16xi32>
    %rem3A_67 = arith.constant 2048 : i32
    %rem3A_68 = vector.broadcast %rem3A_67 : i32 to vector<16xi32>
    %rem3A_69 = arith.remsi %add3A_66, %rem3A_68 : vector<16xi32>
    %swap3A_70 = arith.constant 1 : i32
    %swap3A_71 = arith.index_cast %swap3A_70 : i32 to index
    %swap3A_72 = arith.constant 0 : index
    %swap3A_73 = tpu.vector_load %arg6[%swap3A_71, %swap3A_72] {strides = array<i32>} : memref<2x64xi32, #tpu.memory_space<vmem>>, vector<1x16xi32>,
    %swap3A_74 = vector.shape_cast %swap3A_73 : vector<1x16xi32> to vector<16xi32>
    %swap3A_75 = vector.shape_cast %rem3A_69 : vector<16xi32> to vector<1x16xi32>
    tpu.vector_store %arg6[%swap3A_71, %swap3A_72], %swap3A_75 {strides = array<i32>} : memref<2x64xi32, #tpu.memory_space<vmem>>, vector<1x16xi32>,
    %add3A_76 = arith.constant 64 : i32
    %add3A_77 = arith.addi %mul3A_2, %add3A_76 : i32
    %add3A_78 = arith.constant 16 : i32
    %add3A_79 = arith.addi %add3A_77, %add3A_78 : i32
    %add3A_80 = vector.broadcast %add3A_79 : i32 to vector<16xi32>
    %add3A_81 = arith.addi %add3A_80, %iota3A : vector<16xi32>
    %rem3A_82 = arith.constant 2048 : i32
    %rem3A_83 = vector.broadcast %rem3A_82 : i32 to vector<16xi32>
    %rem3A_84 = arith.remsi %add3A_81, %rem3A_83 : vector<16xi32>
    %swap3A_85 = arith.constant 1 : i32
    %swap3A_86 = arith.index_cast %swap3A_85 : i32 to index
    %swap3A_87 = arith.constant 16 : index
    %swap3A_88 = tpu.vector_load %arg6[%swap3A_86, %swap3A_87] {strides = array<i32>} : memref<2x64xi32, #tpu.memory_space<vmem>>, vector<1x16xi32>,
    %swap3A_89 = vector.shape_cast %swap3A_88 : vector<1x16xi32> to vector<16xi32>
    %swap3A_90 = vector.shape_cast %rem3A_84 : vector<16xi32> to vector<1x16xi32>
    tpu.vector_store %arg6[%swap3A_86, %swap3A_87], %swap3A_90 {strides = array<i32>} : memref<2x64xi32, #tpu.memory_space<vmem>>, vector<1x16xi32>,
    %add3A_91 = arith.constant 64 : i32
    %add3A_92 = arith.addi %mul3A_2, %add3A_91 : i32
    %add3A_93 = arith.constant 32 : i32
    %add3A_94 = arith.addi %add3A_92, %add3A_93 : i32
    %add3A_95 = vector.broadcast %add3A_94 : i32 to vector<16xi32>
    %add3A_96 = arith.addi %add3A_95, %iota3A : vector<16xi32>
    %rem3A_97 = arith.constant 2048 : i32
    %rem3A_98 = vector.broadcast %rem3A_97 : i32 to vector<16xi32>
    %rem3A_99 = arith.remsi %add3A_96, %rem3A_98 : vector<16xi32>
    %swap3A_100 = arith.constant 1 : i32
    %swap3A_101 = arith.index_cast %swap3A_100 : i32 to index
    %swap3A_102 = arith.constant 32 : index
    %swap3A_103 = tpu.vector_load %arg6[%swap3A_101, %swap3A_102] {strides = array<i32>} : memref<2x64xi32, #tpu.memory_space<vmem>>, vector<1x16xi32>,
    %swap3A_104 = vector.shape_cast %swap3A_103 : vector<1x16xi32> to vector<16xi32>
    %swap3A_105 = vector.shape_cast %rem3A_99 : vector<16xi32> to vector<1x16xi32>
    tpu.vector_store %arg6[%swap3A_101, %swap3A_102], %swap3A_105 {strides = array<i32>} : memref<2x64xi32, #tpu.memory_space<vmem>>, vector<1x16xi32>,
    %add3A_106 = arith.constant 64 : i32
    %add3A_107 = arith.addi %mul3A_2, %add3A_106 : i32
    %add3A_108 = arith.constant 48 : i32
    %add3A_109 = arith.addi %add3A_107, %add3A_108 : i32
    %add3A_110 = vector.broadcast %add3A_109 : i32 to vector<16xi32>
    %add3A_111 = arith.addi %add3A_110, %iota3A : vector<16xi32>
    %rem3A_112 = arith.constant 2048 : i32
    %rem3A_113 = vector.broadcast %rem3A_112 : i32 to vector<16xi32>
    %rem3A_114 = arith.remsi %add3A_111, %rem3A_113 : vector<16xi32>
    %swap3A_115 = arith.constant 1 : i32
    %swap3A_116 = arith.index_cast %swap3A_115 : i32 to index
    %swap3A_117 = arith.constant 48 : index
    %swap3A_118 = tpu.vector_load %arg6[%swap3A_116, %swap3A_117] {strides = array<i32>} : memref<2x64xi32, #tpu.memory_space<vmem>>, vector<1x16xi32>,
    %swap3A_119 = vector.shape_cast %swap3A_118 : vector<1x16xi32> to vector<16xi32>
    %swap3A_120 = vector.shape_cast %rem3A_114 : vector<16xi32> to vector<1x16xi32>
    tpu.vector_store %arg6[%swap3A_116, %swap3A_117], %swap3A_120 {strides = array<i32>} : memref<2x64xi32, #tpu.memory_space<vmem>>, vector<1x16xi32>,
    %dma_start3A = arith.constant 0 : i32
    %dma_start3A_121 = arith.constant 0 : i32
    %dma_start3A_122 = tpu.memref_slice %arg6[%dma_start3A, %dma_start3A_121] : memref<2x64xi32, #tpu.memory_space<vmem>> -> memref<1x64xi32, #tpu.memory_space<vmem>>
    %dma_start3A_123 = tpu.memref_squeeze %dma_start3A_122 : memref<1x64xi32, #tpu.memory_space<vmem>> -> memref<64xi32, #tpu.memory_space<vmem>>
    %dma_start3A_124 = arith.constant 0 : i32
    %dma_start3A_125 = arith.constant 0 : i32
    %dma_start3A_126 = tpu.memref_slice %arg2[%dma_start3A_124, %dma_start3A_125] : memref<2048x1024xf32, #tpu.memory_space<hbm>> -> memref<2048x1024xf32, #tpu.memory_space<hbm>>
    tpu.enqueue_indirect_dma source(%dma_start3A_126 : memref<2048x1024xf32, #tpu.memory_space<hbm>>) target(%arg7 : memref<64x1024xf32, #tpu.memory_space<vmem>>) offsets(%dma_start3A_123 : memref<64xi32, #tpu.memory_space<vmem>>) semaphore(%arg8 : memref<!tpu.dma_semaphore, #tpu.memory_space<semaphore_mem>>)
    %dma_wait3A = arith.constant 0 : i32
    %dma_wait3A_127 = arith.constant 0 : i32
    %dma_wait3A_128 = tpu.memref_slice %arg6[%dma_wait3A, %dma_wait3A_127] : memref<2x64xi32, #tpu.memory_space<vmem>> -> memref<1x64xi32, #tpu.memory_space<vmem>>
    %dma_wait3A_129 = tpu.memref_squeeze %dma_wait3A_128 : memref<1x64xi32, #tpu.memory_space<vmem>> -> memref<64xi32, #tpu.memory_space<vmem>>
    %dma_wait3A_130 = arith.constant 0 : i32
    %dma_wait3A_131 = arith.constant 0 : i32
    %dma_wait3A_132 = tpu.memref_slice %arg2[%dma_wait3A_130, %dma_wait3A_131] : memref<2048x1024xf32, #tpu.memory_space<hbm>> -> memref<2048x1024xf32, #tpu.memory_space<hbm>>
    tpu.wait_indirect_dma semaphore(%arg8 : memref<!tpu.dma_semaphore, #tpu.memory_space<semaphore_mem>>) src(%dma_wait3A_132 : memref<2048x1024xf32, #tpu.memory_space<hbm>>) dst(%arg7 : memref<64x1024xf32, #tpu.memory_space<vmem>>)
    %dma_start3A_133 = arith.constant 0 : i32
    %dma_start3A_134 = arith.constant 0 : i32
    %dma_start3A_135 = tpu.memref_slice %arg5[%dma_start3A_133, %dma_start3A_134] : memref<2x64xi32, #tpu.memory_space<vmem>> -> memref<1x64xi32, #tpu.memory_space<vmem>>
    %dma_start3A_136 = tpu.memref_squeeze %dma_start3A_135 : memref<1x64xi32, #tpu.memory_space<vmem>> -> memref<64xi32, #tpu.memory_space<vmem>>
    %dma_start3A_137 = arith.constant 0 : i32
    %dma_start3A_138 = arith.constant 0 : i32
    %dma_start3A_139 = tpu.memref_slice %arg4[%dma_start3A_137, %dma_start3A_138] : memref<8192x1024xf32, #tpu.memory_space<hbm>> -> memref<8192x1024xf32, #tpu.memory_space<hbm>>
    tpu.enqueue_indirect_dma source(%arg7 : memref<64x1024xf32, #tpu.memory_space<vmem>>) target(%dma_start3A_139 : memref<8192x1024xf32, #tpu.memory_space<hbm>>) offsets(%dma_start3A_136 : memref<64xi32, #tpu.memory_space<vmem>>) semaphore(%arg8 : memref<!tpu.dma_semaphore, #tpu.memory_space<semaphore_mem>>)
    %dma_wait3A_140 = arith.constant 0 : i32
    %dma_wait3A_141 = arith.constant 0 : i32
    %dma_wait3A_142 = tpu.memref_slice %arg5[%dma_wait3A_140, %dma_wait3A_141] : memref<2x64xi32, #tpu.memory_space<vmem>> -> memref<1x64xi32, #tpu.memory_space<vmem>>
    %dma_wait3A_143 = tpu.memref_squeeze %dma_wait3A_142 : memref<1x64xi32, #tpu.memory_space<vmem>> -> memref<64xi32, #tpu.memory_space<vmem>>
    %dma_wait3A_144 = arith.constant 0 : i32
    %dma_wait3A_145 = arith.constant 0 : i32
    %dma_wait3A_146 = tpu.memref_slice %arg4[%dma_wait3A_144, %dma_wait3A_145] : memref<8192x1024xf32, #tpu.memory_space<hbm>> -> memref<8192x1024xf32, #tpu.memory_space<hbm>>
    tpu.wait_indirect_dma semaphore(%arg8 : memref<!tpu.dma_semaphore, #tpu.memory_space<semaphore_mem>>) src(%arg7 : memref<64x1024xf32, #tpu.memory_space<vmem>>) dst(%dma_wait3A_146 : memref<8192x1024xf32, #tpu.memory_space<hbm>>)
    %dma_start3A_147 = arith.constant 1 : i32
    %dma_start3A_148 = arith.constant 0 : i32
    %dma_start3A_149 = tpu.memref_slice %arg6[%dma_start3A_147, %dma_start3A_148] : memref<2x64xi32, #tpu.memory_space<vmem>> -> memref<1x64xi32, #tpu.memory_space<vmem>>
    %dma_start3A_150 = tpu.memref_squeeze %dma_start3A_149 : memref<1x64xi32, #tpu.memory_space<vmem>> -> memref<64xi32, #tpu.memory_space<vmem>>
    %dma_start3A_151 = arith.constant 0 : i32
    %dma_start3A_152 = arith.constant 0 : i32
    %dma_start3A_153 = tpu.memref_slice %arg2[%dma_start3A_151, %dma_start3A_152] : memref<2048x1024xf32, #tpu.memory_space<hbm>> -> memref<2048x1024xf32, #tpu.memory_space<hbm>>
    tpu.enqueue_indirect_dma source(%dma_start3A_153 : memref<2048x1024xf32, #tpu.memory_space<hbm>>) target(%arg7 : memref<64x1024xf32, #tpu.memory_space<vmem>>) offsets(%dma_start3A_150 : memref<64xi32, #tpu.memory_space<vmem>>) semaphore(%arg8 : memref<!tpu.dma_semaphore, #tpu.memory_space<semaphore_mem>>)
    %dma_wait3A_154 = arith.constant 1 : i32
    %dma_wait3A_155 = arith.constant 0 : i32
    %dma_wait3A_156 = tpu.memref_slice %arg6[%dma_wait3A_154, %dma_wait3A_155] : memref<2x64xi32, #tpu.memory_space<vmem>> -> memref<1x64xi32, #tpu.memory_space<vmem>>
    %dma_wait3A_157 = tpu.memref_squeeze %dma_wait3A_156 : memref<1x64xi32, #tpu.memory_space<vmem>> -> memref<64xi32, #tpu.memory_space<vmem>>
    %dma_wait3A_158 = arith.constant 0 : i32
    %dma_wait3A_159 = arith.constant 0 : i32
    %dma_wait3A_160 = tpu.memref_slice %arg2[%dma_wait3A_158, %dma_wait3A_159] : memref<2048x1024xf32, #tpu.memory_space<hbm>> -> memref<2048x1024xf32, #tpu.memory_space<hbm>>
    tpu.wait_indirect_dma semaphore(%arg8 : memref<!tpu.dma_semaphore, #tpu.memory_space<semaphore_mem>>) src(%dma_wait3A_160 : memref<2048x1024xf32, #tpu.memory_space<hbm>>) dst(%arg7 : memref<64x1024xf32, #tpu.memory_space<vmem>>)
    %dma_start3A_161 = arith.constant 1 : i32
    %dma_start3A_162 = arith.constant 0 : i32
    %dma_start3A_163 = tpu.memref_slice %arg5[%dma_start3A_161, %dma_start3A_162] : memref<2x64xi32, #tpu.memory_space<vmem>> -> memref<1x64xi32, #tpu.memory_space<vmem>>
    %dma_start3A_164 = tpu.memref_squeeze %dma_start3A_163 : memref<1x64xi32, #tpu.memory_space<vmem>> -> memref<64xi32, #tpu.memory_space<vmem>>
    %dma_start3A_165 = arith.constant 0 : i32
    %dma_start3A_166 = arith.constant 0 : i32
    %dma_start3A_167 = tpu.memref_slice %arg4[%dma_start3A_165, %dma_start3A_166] : memref<8192x1024xf32, #tpu.memory_space<hbm>> -> memref<8192x1024xf32, #tpu.memory_space<hbm>>
    tpu.enqueue_indirect_dma source(%arg7 : memref<64x1024xf32, #tpu.memory_space<vmem>>) target(%dma_start3A_167 : memref<8192x1024xf32, #tpu.memory_space<hbm>>) offsets(%dma_start3A_164 : memref<64xi32, #tpu.memory_space<vmem>>) semaphore(%arg8 : memref<!tpu.dma_semaphore, #tpu.memory_space<semaphore_mem>>)
    %dma_wait3A_168 = arith.constant 1 : i32
    %dma_wait3A_169 = arith.constant 0 : i32
    %dma_wait3A_170 = tpu.memref_slice %arg5[%dma_wait3A_168, %dma_wait3A_169] : memref<2x64xi32, #tpu.memory_space<vmem>> -> memref<1x64xi32, #tpu.memory_space<vmem>>
    %dma_wait3A_171 = tpu.memref_squeeze %dma_wait3A_170 : memref<1x64xi32, #tpu.memory_space<vmem>> -> memref<64xi32, #tpu.memory_space<vmem>>
    %dma_wait3A_172 = arith.constant 0 : i32
    %dma_wait3A_173 = arith.constant 0 : i32
    %dma_wait3A_174 = tpu.memref_slice %arg4[%dma_wait3A_172, %dma_wait3A_173] : memref<8192x1024xf32, #tpu.memory_space<hbm>> -> memref<8192x1024xf32, #tpu.memory_space<hbm>>
    tpu.wait_indirect_dma semaphore(%arg8 : memref<!tpu.dma_semaphore, #tpu.memory_space<semaphore_mem>>) src(%arg7 : memref<64x1024xf32, #tpu.memory_space<vmem>>) dst(%dma_wait3A_174 : memref<8192x1024xf32, #tpu.memory_space<hbm>>)
    return
  }
}

module attributes {stable_mosaic.version = 14 : i64} {
  func.func @_grouped_body(%arg0: i32, %arg1: memref<32xi32, #tpu.memory_space<smem>>, %arg2: memref<1xi32, #tpu.memory_space<smem>>, %arg3: memref<512x1024xf32, #tpu.memory_space<vmem>>, %arg4: memref<1x512x1024xf32, #tpu.memory_space<vmem>>, %arg5: memref<1x512x1024xf32, #tpu.memory_space<vmem>>, %arg6: memref<1x1024x512xf32, #tpu.memory_space<vmem>>, %arg7: memref<512x1024xf32, #tpu.memory_space<vmem>>) attributes {dimension_semantics = [#tpu.dimension_semantics<arbitrary>], iteration_bounds = array<i64: 16>, scalar_prefetch = 2 : i64, scratch_operands = 0 : i64, tpu.core_type = #tpu.core_type<tc>, window_params = [{transform_indices = @transform_0, window_bounds = array<i64: 512, 1024>}, {transform_indices = @transform_1, window_bounds = array<i64: 1, 512, 1024>}, {transform_indices = @transform_2, window_bounds = array<i64: 1, 512, 1024>}, {transform_indices = @transform_3, window_bounds = array<i64: 1, 1024, 512>}, {transform_indices = @transform_4, window_bounds = array<i64: 512, 1024>}]} {
    %get3A = arith.constant 0 : index
    %get3A_0 = memref.load %arg2[%get3A] : memref<1xi32, #tpu.memory_space<smem>>
    %lt3A = arith.cmpi slt, %arg0, %get3A_0 : i32
    %convert_element_type3A = arith.extui %lt3A : i1 to i32
    %cond3A = arith.constant 0 : i32
    %cond3A_1 = arith.cmpi ne, %convert_element_type3A, %cond3A : i32
    scf.if %cond3A_1 {
      %get3A_2 = arith.constant 0 : index
      %get3A_3 = arith.constant 0 : index
      %get3A_4 = vector.load %arg3[%get3A_2, %get3A_3] : memref<512x1024xf32, #tpu.memory_space<vmem>>, vector<512x1024xf32>
      %convert_element_type3A_5 = arith.truncf %get3A_4 : vector<512x1024xf32> to vector<512x1024xbf16>
      %get3A_6 = arith.constant 0 : index
      %get3A_7 = arith.constant 0 : index
      %get3A_8 = arith.constant 0 : index
      %get3A_9 = vector.load %arg4[%get3A_6, %get3A_7, %get3A_8] : memref<1x512x1024xf32, #tpu.memory_space<vmem>>, vector<1x512x1024xf32>
      %get3A_10 = vector.shape_cast %get3A_9 : vector<1x512x1024xf32> to vector<512x1024xf32>
      %convert_element_type3A_11 = arith.truncf %get3A_10 : vector<512x1024xf32> to vector<512x1024xbf16>
      %dot_general3A = arith.constant dense<0.000000e+00> : vector<512x512xf32>
      %dot_general3A_12 = tpu.matmul %convert_element_type3A_5, %convert_element_type3A_11, %dot_general3A {dimension_numbers = #tpu.dot_dimension_numbers<[1], [1], [0], [0], [0, 0, 1, 0], [], []>, transpose_lhs_hint = false} : vector<512x1024xbf16>, vector<512x1024xbf16>, vector<512x512xf32> -> vector<512x512xf32>
      %get3A_13 = arith.constant 0 : index
      %get3A_14 = arith.constant 0 : index
      %get3A_15 = arith.constant 0 : index
      %get3A_16 = vector.load %arg5[%get3A_13, %get3A_14, %get3A_15] : memref<1x512x1024xf32, #tpu.memory_space<vmem>>, vector<1x512x1024xf32>
      %get3A_17 = vector.shape_cast %get3A_16 : vector<1x512x1024xf32> to vector<512x1024xf32>
      %convert_element_type3A_18 = arith.truncf %get3A_17 : vector<512x1024xf32> to vector<512x1024xbf16>
      %dot_general3A_19 = arith.constant dense<0.000000e+00> : vector<512x512xf32>
      %dot_general3A_20 = tpu.matmul %convert_element_type3A_5, %convert_element_type3A_18, %dot_general3A_19 {dimension_numbers = #tpu.dot_dimension_numbers<[1], [1], [0], [0], [0, 0, 1, 0], [], []>, transpose_lhs_hint = false} : vector<512x1024xbf16>, vector<512x1024xbf16>, vector<512x512xf32> -> vector<512x512xf32>
      %logistic3A = arith.negf %dot_general3A_12 : vector<512x512xf32>
      %logistic3A_21 = math.exp %logistic3A : vector<512x512xf32>
      %logistic3A_22 = arith.constant 1.000000e+00 : f32
      %logistic3A_23 = vector.broadcast %logistic3A_22 : f32 to vector<512x512xf32>
      %logistic3A_24 = arith.addf %logistic3A_23, %logistic3A_21 : vector<512x512xf32>
      %logistic3A_25 = arith.divf %logistic3A_23, %logistic3A_24 : vector<512x512xf32>
      %mul3A = arith.mulf %dot_general3A_12, %logistic3A_25 : vector<512x512xf32>
      %mul3A_26 = arith.mulf %mul3A, %dot_general3A_20 : vector<512x512xf32>
      %convert_element_type3A_27 = arith.truncf %mul3A_26 : vector<512x512xf32> to vector<512x512xbf16>
      %get3A_28 = arith.constant 0 : index
      %get3A_29 = arith.constant 0 : index
      %get3A_30 = arith.constant 0 : index
      %get3A_31 = vector.load %arg6[%get3A_28, %get3A_29, %get3A_30] : memref<1x1024x512xf32, #tpu.memory_space<vmem>>, vector<1x1024x512xf32>
      %get3A_32 = vector.shape_cast %get3A_31 : vector<1x1024x512xf32> to vector<1024x512xf32>
      %convert_element_type3A_33 = arith.truncf %get3A_32 : vector<1024x512xf32> to vector<1024x512xbf16>
      %dot_general3A_34 = arith.constant dense<0.000000e+00> : vector<512x1024xf32>
      %dot_general3A_35 = tpu.matmul %convert_element_type3A_27, %convert_element_type3A_33, %dot_general3A_34 {dimension_numbers = #tpu.dot_dimension_numbers<[1], [1], [0], [0], [0, 0, 1, 0], [], []>, transpose_lhs_hint = false} : vector<512x512xbf16>, vector<1024x512xbf16>, vector<512x1024xf32> -> vector<512x1024xf32>
      %swap3A = arith.constant 0 : index
      %swap3A_36 = arith.constant 0 : index
      %swap3A_37 = vector.load %arg7[%swap3A, %swap3A_36] : memref<512x1024xf32, #tpu.memory_space<vmem>>, vector<512x1024xf32>
      tpu.vector_store %arg7[%swap3A, %swap3A_36], %dot_general3A_35 {strides = array<i32>} : memref<512x1024xf32, #tpu.memory_space<vmem>>, vector<512x1024xf32>,
    } else {
    }
    return
  }
  func.func @transform_0(%arg0: i32, %arg1: memref<32xi32, #tpu.memory_space<smem>>, %arg2: memref<1xi32, #tpu.memory_space<smem>>) -> (i32, i32) {
    %get3A = arith.constant 0 : index
    %get3A_0 = memref.load %arg2[%get3A] : memref<1xi32, #tpu.memory_space<smem>>
    %sub3A = arith.constant 1 : i32
    %sub3A_1 = arith.subi %get3A_0, %sub3A : i32
    %min3A = arith.minsi %arg0, %sub3A_1 : i32
    %c0_i32 = arith.constant 0 : i32
    %c0_i32_2 = arith.constant 0 : i32
    return %min3A, %c0_i32 : i32, i32
  }
  func.func @transform_1(%arg0: i32, %arg1: memref<32xi32, #tpu.memory_space<smem>>, %arg2: memref<1xi32, #tpu.memory_space<smem>>) -> (i32, i32, i32) {
    %get3A = arith.constant 0 : index
    %get3A_0 = memref.load %arg2[%get3A] : memref<1xi32, #tpu.memory_space<smem>>
    %sub3A = arith.constant 1 : i32
    %sub3A_1 = arith.subi %get3A_0, %sub3A : i32
    %min3A = arith.minsi %arg0, %sub3A_1 : i32
    %get3A_2 = arith.index_cast %min3A : i32 to index
    %get3A_3 = memref.load %arg1[%get3A_2] : memref<32xi32, #tpu.memory_space<smem>>
    %c0_i32 = arith.constant 0 : i32
    %c0_i32_4 = arith.constant 0 : i32
    %c0_i32_5 = arith.constant 0 : i32
    return %get3A_3, %c0_i32, %c0_i32_4 : i32, i32, i32
  }
  func.func @transform_2(%arg0: i32, %arg1: memref<32xi32, #tpu.memory_space<smem>>, %arg2: memref<1xi32, #tpu.memory_space<smem>>) -> (i32, i32, i32) {
    %get3A = arith.constant 0 : index
    %get3A_0 = memref.load %arg2[%get3A] : memref<1xi32, #tpu.memory_space<smem>>
    %sub3A = arith.constant 1 : i32
    %sub3A_1 = arith.subi %get3A_0, %sub3A : i32
    %min3A = arith.minsi %arg0, %sub3A_1 : i32
    %get3A_2 = arith.index_cast %min3A : i32 to index
    %get3A_3 = memref.load %arg1[%get3A_2] : memref<32xi32, #tpu.memory_space<smem>>
    %c0_i32 = arith.constant 0 : i32
    %c0_i32_4 = arith.constant 0 : i32
    %c0_i32_5 = arith.constant 0 : i32
    return %get3A_3, %c0_i32, %c0_i32_4 : i32, i32, i32
  }
  func.func @transform_3(%arg0: i32, %arg1: memref<32xi32, #tpu.memory_space<smem>>, %arg2: memref<1xi32, #tpu.memory_space<smem>>) -> (i32, i32, i32) {
    %get3A = arith.constant 0 : index
    %get3A_0 = memref.load %arg2[%get3A] : memref<1xi32, #tpu.memory_space<smem>>
    %sub3A = arith.constant 1 : i32
    %sub3A_1 = arith.subi %get3A_0, %sub3A : i32
    %min3A = arith.minsi %arg0, %sub3A_1 : i32
    %get3A_2 = arith.index_cast %min3A : i32 to index
    %get3A_3 = memref.load %arg1[%get3A_2] : memref<32xi32, #tpu.memory_space<smem>>
    %c0_i32 = arith.constant 0 : i32
    %c0_i32_4 = arith.constant 0 : i32
    %c0_i32_5 = arith.constant 0 : i32
    return %get3A_3, %c0_i32, %c0_i32_4 : i32, i32, i32
  }
  func.func @transform_4(%arg0: i32, %arg1: memref<32xi32, #tpu.memory_space<smem>>, %arg2: memref<1xi32, #tpu.memory_space<smem>>) -> (i32, i32) {
    %get3A = arith.constant 0 : index
    %get3A_0 = memref.load %arg2[%get3A] : memref<1xi32, #tpu.memory_space<smem>>
    %sub3A = arith.constant 1 : i32
    %sub3A_1 = arith.subi %get3A_0, %sub3A : i32
    %min3A = arith.minsi %arg0, %sub3A_1 : i32
    %c0_i32 = arith.constant 0 : i32
    %c0_i32_2 = arith.constant 0 : i32
    return %min3A, %c0_i32 : i32, i32
  }
}

module attributes {stable_mosaic.version = 14 : i64} {
  func.func @_router_body(%arg0: i32, %arg1: memref<2048x1024xf32, #tpu.memory_space<vmem>>, %arg2: memref<8x1024xf32, #tpu.memory_space<vmem>>, %arg3: memref<1x8xf32, #tpu.memory_space<vmem>>, %arg4: memref<4096x1xi32, #tpu.memory_space<vmem>>, %arg5: memref<2048x2xf32, #tpu.memory_space<vmem>>, %arg6: memref<32x1xi32, #tpu.memory_space<vmem>>, %arg7: memref<1x1xi32, #tpu.memory_space<vmem>>) attributes {dimension_semantics = [#tpu.dimension_semantics<arbitrary>], iteration_bounds = array<i64: 1>, scalar_prefetch = 0 : i64, scratch_operands = 0 : i64, tpu.core_type = #tpu.core_type<tc>, window_params = [{pipeline_mode = #tpu.pipeline_mode<synchronous>, transform_indices = @transform_0, window_bounds = array<i64: 2048, 1024>}, {pipeline_mode = #tpu.pipeline_mode<synchronous>, transform_indices = @transform_1, window_bounds = array<i64: 8, 1024>}, {pipeline_mode = #tpu.pipeline_mode<synchronous>, transform_indices = @transform_2, window_bounds = array<i64: 1, 8>}, {pipeline_mode = #tpu.pipeline_mode<synchronous>, transform_indices = @transform_3, window_bounds = array<i64: 4096, 1>}, {pipeline_mode = #tpu.pipeline_mode<synchronous>, transform_indices = @transform_4, window_bounds = array<i64: 2048, 2>}, {pipeline_mode = #tpu.pipeline_mode<synchronous>, transform_indices = @transform_5, window_bounds = array<i64: 32, 1>}, {pipeline_mode = #tpu.pipeline_mode<synchronous>, transform_indices = @transform_6, window_bounds = array<i64: 1, 1>}]} {
    %get3A = arith.constant 0 : index
    %get3A_0 = arith.constant 0 : index
    %get3A_1 = vector.load %arg1[%get3A, %get3A_0] : memref<2048x1024xf32, #tpu.memory_space<vmem>>, vector<2048x1024xf32>
    %get3A_2 = arith.constant 0 : index
    %get3A_3 = arith.constant 0 : index
    %get3A_4 = vector.load %arg2[%get3A_2, %get3A_3] : memref<8x1024xf32, #tpu.memory_space<vmem>>, vector<8x1024xf32>
    %dot_general3A = arith.constant dense<0.000000e+00> : vector<2048x8xf32>
    %dot_general3A_5 = tpu.matmul %get3A_1, %get3A_4, %dot_general3A {dimension_numbers = #tpu.dot_dimension_numbers<[1], [1], [0], [0], [0, 0, 1, 0], [], []>, transpose_lhs_hint = false} : vector<2048x1024xf32>, vector<8x1024xf32>, vector<2048x8xf32> -> vector<2048x8xf32>
    %logistic3A = arith.negf %dot_general3A_5 : vector<2048x8xf32>
    %logistic3A_6 = math.exp %logistic3A : vector<2048x8xf32>
    %logistic3A_7 = arith.constant 1.000000e+00 : f32
    %logistic3A_8 = vector.broadcast %logistic3A_7 : f32 to vector<2048x8xf32>
    %logistic3A_9 = arith.addf %logistic3A_8, %logistic3A_6 : vector<2048x8xf32>
    %logistic3A_10 = arith.divf %logistic3A_8, %logistic3A_9 : vector<2048x8xf32>
    %get3A_11 = arith.constant 0 : index
    %get3A_12 = arith.constant 0 : index
    %get3A_13 = vector.load %arg3[%get3A_11, %get3A_12] : memref<1x8xf32, #tpu.memory_space<vmem>>, vector<1x8xf32>
    %add3A = vector.broadcast %get3A_13 : vector<1x8xf32> to vector<2048x8xf32>
    %add3A_14 = arith.addf %logistic3A_10, %add3A : vector<2048x8xf32>
    %iota3A = tpu.iota {dimensions = array<i32: 1>} : vector<2048x8xi32>
    %reduce_max3A = arith.constant dense<0xFF800000> : vector<2048xf32>
    %reduce_max3A_15 = vector.multi_reduction <maximumf>, %add3A_14, %reduce_max3A [1] : vector<2048x8xf32> to vector<2048xf32>
    %broadcast_in_dim3A = vector.shape_cast %reduce_max3A_15 : vector<2048xf32> to vector<2048x1xf32>
    %eq3A = vector.broadcast %broadcast_in_dim3A : vector<2048x1xf32> to vector<2048x8xf32>
    %eq3A_16 = arith.cmpf oeq, %add3A_14, %eq3A : vector<2048x8xf32>
    %jit3A = arith.constant 8 : i32
    %broadcast_in_dim3A_17 = vector.broadcast %jit3A : i32 to vector<2048x8xi32>
    %select_n3A = arith.select %eq3A_16, %iota3A, %broadcast_in_dim3A_17 : vector<2048x8xi1>, vector<2048x8xi32>
    %reduce_min3A = arith.constant dense<2147483647> : vector<2048xi32>
    %reduce_min3A_18 = vector.multi_reduction <minsi>, %select_n3A, %reduce_min3A [1] : vector<2048x8xi32> to vector<2048xi32>
    %broadcast_in_dim3A_19 = vector.shape_cast %reduce_min3A_18 : vector<2048xi32> to vector<2048x1xi32>
    %eq3A_20 = vector.broadcast %broadcast_in_dim3A_19 : vector<2048x1xi32> to vector<2048x8xi32>
    %eq3A_21 = arith.cmpi eq, %iota3A, %eq3A_20 : vector<2048x8xi32>
    %jit3A_22 = arith.constant 0xFF800000 : f32
    %broadcast_in_dim3A_23 = vector.broadcast %jit3A_22 : f32 to vector<2048x8xf32>
    %select_n3A_24 = arith.select %eq3A_21, %broadcast_in_dim3A_23, %add3A_14 : vector<2048x8xi1>, vector<2048x8xf32>
    %reduce_max3A_25 = arith.constant dense<0xFF800000> : vector<2048xf32>
    %reduce_max3A_26 = vector.multi_reduction <maximumf>, %select_n3A_24, %reduce_max3A_25 [1] : vector<2048x8xf32> to vector<2048xf32>
    %broadcast_in_dim3A_27 = vector.shape_cast %reduce_max3A_26 : vector<2048xf32> to vector<2048x1xf32>
    %eq3A_28 = vector.broadcast %broadcast_in_dim3A_27 : vector<2048x1xf32> to vector<2048x8xf32>
    %eq3A_29 = arith.cmpf oeq, %select_n3A_24, %eq3A_28 : vector<2048x8xf32>
    %jit3A_30 = arith.constant 8 : i32
    %broadcast_in_dim3A_31 = vector.broadcast %jit3A_30 : i32 to vector<2048x8xi32>
    %select_n3A_32 = arith.select %eq3A_29, %iota3A, %broadcast_in_dim3A_31 : vector<2048x8xi1>, vector<2048x8xi32>
    %reduce_min3A_33 = arith.constant dense<2147483647> : vector<2048xi32>
    %reduce_min3A_34 = vector.multi_reduction <minsi>, %select_n3A_32, %reduce_min3A_33 [1] : vector<2048x8xi32> to vector<2048xi32>
    %broadcast_in_dim3A_35 = vector.shape_cast %reduce_min3A_34 : vector<2048xi32> to vector<2048x1xi32>
    %eq3A_36 = vector.broadcast %broadcast_in_dim3A_35 : vector<2048x1xi32> to vector<2048x8xi32>
    %eq3A_37 = arith.cmpi eq, %iota3A, %eq3A_36 : vector<2048x8xi32>
    %jit3A_38 = arith.constant 0.000000e+00 : f32
    %broadcast_in_dim3A_39 = vector.broadcast %jit3A_38 : f32 to vector<2048x8xf32>
    %select_n3A_40 = arith.select %eq3A_21, %logistic3A_10, %broadcast_in_dim3A_39 : vector<2048x8xi1>, vector<2048x8xf32>
    %reduce_sum3A = arith.constant dense<0.000000e+00> : vector<2048xf32>
    %reduce_sum3A_41 = vector.multi_reduction <add>, %select_n3A_40, %reduce_sum3A [1] : vector<2048x8xf32> to vector<2048xf32>
    %broadcast_in_dim3A_42 = vector.shape_cast %reduce_sum3A_41 : vector<2048xf32> to vector<2048x1xf32>
    %jit3A_43 = arith.constant 0.000000e+00 : f32
    %broadcast_in_dim3A_44 = vector.broadcast %jit3A_43 : f32 to vector<2048x8xf32>
    %select_n3A_45 = arith.select %eq3A_37, %logistic3A_10, %broadcast_in_dim3A_44 : vector<2048x8xi1>, vector<2048x8xf32>
    %reduce_sum3A_46 = arith.constant dense<0.000000e+00> : vector<2048xf32>
    %reduce_sum3A_47 = vector.multi_reduction <add>, %select_n3A_45, %reduce_sum3A_46 [1] : vector<2048x8xf32> to vector<2048xf32>
    %broadcast_in_dim3A_48 = vector.shape_cast %reduce_sum3A_47 : vector<2048xf32> to vector<2048x1xf32>
    %add3A_49 = arith.addf %broadcast_in_dim3A_42, %broadcast_in_dim3A_48 : vector<2048x1xf32>
    %add3A_50 = arith.constant 9.99999968E-21 : f32
    %add3A_51 = vector.broadcast %add3A_50 : f32 to vector<2048x1xf32>
    %add3A_52 = arith.addf %add3A_49, %add3A_51 : vector<2048x1xf32>
    %concatenate3A = tpu.concatenate %broadcast_in_dim3A_42, %broadcast_in_dim3A_48 in 1 : vector<2048x1xf32>, vector<2048x1xf32> -> vector<2048x2xf32>
    %div3A = vector.broadcast %add3A_52 : vector<2048x1xf32> to vector<2048x2xf32>
    %div3A_53 = arith.divf %concatenate3A, %div3A : vector<2048x2xf32>
    %swap3A = arith.constant 0 : index
    %swap3A_54 = arith.constant 0 : index
    %swap3A_55 = vector.load %arg5[%swap3A, %swap3A_54] : memref<2048x2xf32, #tpu.memory_space<vmem>>, vector<2048x2xf32>
    tpu.vector_store %arg5[%swap3A, %swap3A_54], %div3A_53 {strides = array<i32>} : memref<2048x2xf32, #tpu.memory_space<vmem>>, vector<2048x2xf32>,
    %convert_element_type3A = arith.extui %eq3A_21 : vector<2048x8xi1> to vector<2048x8xi32>
    %convert_element_type3A_56 = arith.sitofp %convert_element_type3A : vector<2048x8xi32> to vector<2048x8xf32>
    %convert_element_type3A_57 = arith.extui %eq3A_37 : vector<2048x8xi1> to vector<2048x8xi32>
    %convert_element_type3A_58 = arith.sitofp %convert_element_type3A_57 : vector<2048x8xi32> to vector<2048x8xf32>
    %concatenate3A_59 = tpu.concatenate %convert_element_type3A_56, %convert_element_type3A_58 in 0 : vector<2048x8xf32>, vector<2048x8xf32> -> vector<4096x8xf32>
    %iota3A_60 = tpu.iota {dimensions = array<i32: 0>} : vector<512x512xi32>
    %iota3A_61 = tpu.iota {dimensions = array<i32: 1>} : vector<512x512xi32>
    %le3A = arith.cmpi sle, %iota3A_61, %iota3A_60 : vector<512x512xi32>
    %convert_element_type3A_62 = arith.extui %le3A : vector<512x512xi1> to vector<512x512xi32>
    %convert_element_type3A_63 = arith.sitofp %convert_element_type3A_62 : vector<512x512xi32> to vector<512x512xf32>
    %broadcast_in_dim3A_64 = arith.constant 0.000000e+00 : f32
    %broadcast_in_dim3A_65 = vector.broadcast %broadcast_in_dim3A_64 : f32 to vector<1x8xf32>
    %slice3A = vector.extract_strided_slice %concatenate3A_59 {offsets = [0, 0], sizes = [512, 8], strides = [1, 1]} : vector<4096x8xf32> to vector<512x8xf32>
    %dot_general3A_66 = arith.constant dense<0.000000e+00> : vector<512x8xf32>
    %dot_general3A_67 = tpu.matmul %convert_element_type3A_63, %slice3A, %dot_general3A_66 {dimension_numbers = #tpu.dot_dimension_numbers<[1], [0], [0], [1], [0, 0, 1, 1], [], []>, transpose_lhs_hint = false} : vector<512x512xf32>, vector<512x8xf32>, vector<512x8xf32> -> vector<512x8xf32>
    %add3A_68 = vector.broadcast %broadcast_in_dim3A_65 : vector<1x8xf32> to vector<512x8xf32>
    %add3A_69 = arith.addf %dot_general3A_67, %add3A_68 : vector<512x8xf32>
    %slice3A_70 = vector.extract_strided_slice %dot_general3A_67 {offsets = [511, 0], sizes = [1, 8], strides = [1, 1]} : vector<512x8xf32> to vector<1x8xf32>
    %add3A_71 = arith.addf %broadcast_in_dim3A_65, %slice3A_70 : vector<1x8xf32>
    %slice3A_72 = vector.extract_strided_slice %concatenate3A_59 {offsets = [512, 0], sizes = [512, 8], strides = [1, 1]} : vector<4096x8xf32> to vector<512x8xf32>
    %dot_general3A_73 = arith.constant dense<0.000000e+00> : vector<512x8xf32>
    %dot_general3A_74 = tpu.matmul %convert_element_type3A_63, %slice3A_72, %dot_general3A_73 {dimension_numbers = #tpu.dot_dimension_numbers<[1], [0], [0], [1], [0, 0, 1, 1], [], []>, transpose_lhs_hint = false} : vector<512x512xf32>, vector<512x8xf32>, vector<512x8xf32> -> vector<512x8xf32>
    %add3A_75 = vector.broadcast %add3A_71 : vector<1x8xf32> to vector<512x8xf32>
    %add3A_76 = arith.addf %dot_general3A_74, %add3A_75 : vector<512x8xf32>
    %slice3A_77 = vector.extract_strided_slice %dot_general3A_74 {offsets = [511, 0], sizes = [1, 8], strides = [1, 1]} : vector<512x8xf32> to vector<1x8xf32>
    %add3A_78 = arith.addf %add3A_71, %slice3A_77 : vector<1x8xf32>
    %slice3A_79 = vector.extract_strided_slice %concatenate3A_59 {offsets = [1024, 0], sizes = [512, 8], strides = [1, 1]} : vector<4096x8xf32> to vector<512x8xf32>
    %dot_general3A_80 = arith.constant dense<0.000000e+00> : vector<512x8xf32>
    %dot_general3A_81 = tpu.matmul %convert_element_type3A_63, %slice3A_79, %dot_general3A_80 {dimension_numbers = #tpu.dot_dimension_numbers<[1], [0], [0], [1], [0, 0, 1, 1], [], []>, transpose_lhs_hint = false} : vector<512x512xf32>, vector<512x8xf32>, vector<512x8xf32> -> vector<512x8xf32>
    %add3A_82 = vector.broadcast %add3A_78 : vector<1x8xf32> to vector<512x8xf32>
    %add3A_83 = arith.addf %dot_general3A_81, %add3A_82 : vector<512x8xf32>
    %slice3A_84 = vector.extract_strided_slice %dot_general3A_81 {offsets = [511, 0], sizes = [1, 8], strides = [1, 1]} : vector<512x8xf32> to vector<1x8xf32>
    %add3A_85 = arith.addf %add3A_78, %slice3A_84 : vector<1x8xf32>
    %slice3A_86 = vector.extract_strided_slice %concatenate3A_59 {offsets = [1536, 0], sizes = [512, 8], strides = [1, 1]} : vector<4096x8xf32> to vector<512x8xf32>
    %dot_general3A_87 = arith.constant dense<0.000000e+00> : vector<512x8xf32>
    %dot_general3A_88 = tpu.matmul %convert_element_type3A_63, %slice3A_86, %dot_general3A_87 {dimension_numbers = #tpu.dot_dimension_numbers<[1], [0], [0], [1], [0, 0, 1, 1], [], []>, transpose_lhs_hint = false} : vector<512x512xf32>, vector<512x8xf32>, vector<512x8xf32> -> vector<512x8xf32>
    %add3A_89 = vector.broadcast %add3A_85 : vector<1x8xf32> to vector<512x8xf32>
    %add3A_90 = arith.addf %dot_general3A_88, %add3A_89 : vector<512x8xf32>
    %slice3A_91 = vector.extract_strided_slice %dot_general3A_88 {offsets = [511, 0], sizes = [1, 8], strides = [1, 1]} : vector<512x8xf32> to vector<1x8xf32>
    %add3A_92 = arith.addf %add3A_85, %slice3A_91 : vector<1x8xf32>
    %slice3A_93 = vector.extract_strided_slice %concatenate3A_59 {offsets = [2048, 0], sizes = [512, 8], strides = [1, 1]} : vector<4096x8xf32> to vector<512x8xf32>
    %dot_general3A_94 = arith.constant dense<0.000000e+00> : vector<512x8xf32>
    %dot_general3A_95 = tpu.matmul %convert_element_type3A_63, %slice3A_93, %dot_general3A_94 {dimension_numbers = #tpu.dot_dimension_numbers<[1], [0], [0], [1], [0, 0, 1, 1], [], []>, transpose_lhs_hint = false} : vector<512x512xf32>, vector<512x8xf32>, vector<512x8xf32> -> vector<512x8xf32>
    %add3A_96 = vector.broadcast %add3A_92 : vector<1x8xf32> to vector<512x8xf32>
    %add3A_97 = arith.addf %dot_general3A_95, %add3A_96 : vector<512x8xf32>
    %slice3A_98 = vector.extract_strided_slice %dot_general3A_95 {offsets = [511, 0], sizes = [1, 8], strides = [1, 1]} : vector<512x8xf32> to vector<1x8xf32>
    %add3A_99 = arith.addf %add3A_92, %slice3A_98 : vector<1x8xf32>
    %slice3A_100 = vector.extract_strided_slice %concatenate3A_59 {offsets = [2560, 0], sizes = [512, 8], strides = [1, 1]} : vector<4096x8xf32> to vector<512x8xf32>
    %dot_general3A_101 = arith.constant dense<0.000000e+00> : vector<512x8xf32>
    %dot_general3A_102 = tpu.matmul %convert_element_type3A_63, %slice3A_100, %dot_general3A_101 {dimension_numbers = #tpu.dot_dimension_numbers<[1], [0], [0], [1], [0, 0, 1, 1], [], []>, transpose_lhs_hint = false} : vector<512x512xf32>, vector<512x8xf32>, vector<512x8xf32> -> vector<512x8xf32>
    %add3A_103 = vector.broadcast %add3A_99 : vector<1x8xf32> to vector<512x8xf32>
    %add3A_104 = arith.addf %dot_general3A_102, %add3A_103 : vector<512x8xf32>
    %slice3A_105 = vector.extract_strided_slice %dot_general3A_102 {offsets = [511, 0], sizes = [1, 8], strides = [1, 1]} : vector<512x8xf32> to vector<1x8xf32>
    %add3A_106 = arith.addf %add3A_99, %slice3A_105 : vector<1x8xf32>
    %slice3A_107 = vector.extract_strided_slice %concatenate3A_59 {offsets = [3072, 0], sizes = [512, 8], strides = [1, 1]} : vector<4096x8xf32> to vector<512x8xf32>
    %dot_general3A_108 = arith.constant dense<0.000000e+00> : vector<512x8xf32>
    %dot_general3A_109 = tpu.matmul %convert_element_type3A_63, %slice3A_107, %dot_general3A_108 {dimension_numbers = #tpu.dot_dimension_numbers<[1], [0], [0], [1], [0, 0, 1, 1], [], []>, transpose_lhs_hint = false} : vector<512x512xf32>, vector<512x8xf32>, vector<512x8xf32> -> vector<512x8xf32>
    %add3A_110 = vector.broadcast %add3A_106 : vector<1x8xf32> to vector<512x8xf32>
    %add3A_111 = arith.addf %dot_general3A_109, %add3A_110 : vector<512x8xf32>
    %slice3A_112 = vector.extract_strided_slice %dot_general3A_109 {offsets = [511, 0], sizes = [1, 8], strides = [1, 1]} : vector<512x8xf32> to vector<1x8xf32>
    %add3A_113 = arith.addf %add3A_106, %slice3A_112 : vector<1x8xf32>
    %slice3A_114 = vector.extract_strided_slice %concatenate3A_59 {offsets = [3584, 0], sizes = [512, 8], strides = [1, 1]} : vector<4096x8xf32> to vector<512x8xf32>
    %dot_general3A_115 = arith.constant dense<0.000000e+00> : vector<512x8xf32>
    %dot_general3A_116 = tpu.matmul %convert_element_type3A_63, %slice3A_114, %dot_general3A_115 {dimension_numbers = #tpu.dot_dimension_numbers<[1], [0], [0], [1], [0, 0, 1, 1], [], []>, transpose_lhs_hint = false} : vector<512x512xf32>, vector<512x8xf32>, vector<512x8xf32> -> vector<512x8xf32>
    %add3A_117 = vector.broadcast %add3A_113 : vector<1x8xf32> to vector<512x8xf32>
    %add3A_118 = arith.addf %dot_general3A_116, %add3A_117 : vector<512x8xf32>
    %slice3A_119 = vector.extract_strided_slice %dot_general3A_116 {offsets = [511, 0], sizes = [1, 8], strides = [1, 1]} : vector<512x8xf32> to vector<1x8xf32>
    %add3A_120 = arith.addf %add3A_113, %slice3A_119 : vector<1x8xf32>
    %concatenate3A_121 = tpu.concatenate %add3A_69, %add3A_76, %add3A_83, %add3A_90, %add3A_97, %add3A_104, %add3A_111, %add3A_118 in 0 : vector<512x8xf32>, vector<512x8xf32>, vector<512x8xf32>, vector<512x8xf32>, vector<512x8xf32>, vector<512x8xf32>, vector<512x8xf32>, vector<512x8xf32> -> vector<4096x8xf32>
    %add3A_122 = arith.constant 5.110000e+02 : f32
    %add3A_123 = vector.broadcast %add3A_122 : f32 to vector<1x8xf32>
    %add3A_124 = arith.addf %add3A_120, %add3A_123 : vector<1x8xf32>
    %div3A_125 = arith.constant 5.120000e+02 : f32
    %div3A_126 = vector.broadcast %div3A_125 : f32 to vector<1x8xf32>
    %div3A_127 = arith.divf %add3A_124, %div3A_126 : vector<1x8xf32>
    %floor3A = math.floor %div3A_127 : vector<1x8xf32>
    %mul3A = arith.constant 5.120000e+02 : f32
    %mul3A_128 = vector.broadcast %mul3A : f32 to vector<1x8xf32>
    %mul3A_129 = arith.mulf %floor3A, %mul3A_128 : vector<1x8xf32>
    %iota3A_130 = tpu.iota {dimensions = array<i32: 0>} : vector<8x8xi32>
    %iota3A_131 = tpu.iota {dimensions = array<i32: 1>} : vector<8x8xi32>
    %lt3A = arith.cmpi slt, %iota3A_130, %iota3A_131 : vector<8x8xi32>
    %convert_element_type3A_132 = arith.extui %lt3A : vector<8x8xi1> to vector<8x8xi32>
    %convert_element_type3A_133 = arith.sitofp %convert_element_type3A_132 : vector<8x8xi32> to vector<8x8xf32>
    %dot_general3A_134 = arith.constant dense<0.000000e+00> : vector<1x8xf32>
    %dot_general3A_135 = tpu.matmul %mul3A_129, %convert_element_type3A_133, %dot_general3A_134 {dimension_numbers = #tpu.dot_dimension_numbers<[1], [0], [0], [1], [0, 0, 1, 1], [], []>, transpose_lhs_hint = false} : vector<1x8xf32>, vector<8x8xf32>, vector<1x8xf32> -> vector<1x8xf32>
    %add3A_136 = vector.broadcast %dot_general3A_135 : vector<1x8xf32> to vector<4096x8xf32>
    %add3A_137 = arith.addf %add3A_136, %concatenate3A_121 : vector<4096x8xf32>
    %sub3A = arith.constant 1.000000e+00 : f32
    %sub3A_138 = vector.broadcast %sub3A : f32 to vector<4096x8xf32>
    %sub3A_139 = arith.subf %add3A_137, %sub3A_138 : vector<4096x8xf32>
    %mul3A_140 = arith.mulf %concatenate3A_59, %sub3A_139 : vector<4096x8xf32>
    %reduce_sum3A_141 = arith.constant dense<0.000000e+00> : vector<4096xf32>
    %reduce_sum3A_142 = vector.multi_reduction <add>, %mul3A_140, %reduce_sum3A_141 [1] : vector<4096x8xf32> to vector<4096xf32>
    %broadcast_in_dim3A_143 = vector.shape_cast %reduce_sum3A_142 : vector<4096xf32> to vector<4096x1xf32>
    %convert_element_type3A_144 = arith.fptosi %broadcast_in_dim3A_143 : vector<4096x1xf32> to vector<4096x1xi32>
    %swap3A_145 = arith.constant 0 : index
    %swap3A_146 = arith.constant 0 : index
    %swap3A_147 = vector.load %arg4[%swap3A_145, %swap3A_146] : memref<4096x1xi32, #tpu.memory_space<vmem>>, vector<4096x1xi32>
    tpu.vector_store %arg4[%swap3A_145, %swap3A_146], %convert_element_type3A_144 {strides = array<i32>} : memref<4096x1xi32, #tpu.memory_space<vmem>>, vector<4096x1xi32>,
    %reduce_sum3A_148 = arith.constant dense<0.000000e+00> : vector<1xf32>
    %reduce_sum3A_149 = vector.multi_reduction <add>, %mul3A_129, %reduce_sum3A_148 [1] : vector<1x8xf32> to vector<1xf32>
    %broadcast_in_dim3A_150 = vector.shape_cast %reduce_sum3A_149 : vector<1xf32> to vector<1x1xf32>
    %div3A_151 = arith.constant 5.120000e+02 : f32
    %div3A_152 = vector.broadcast %div3A_151 : f32 to vector<1x1xf32>
    %div3A_153 = arith.divf %broadcast_in_dim3A_150, %div3A_152 : vector<1x1xf32>
    %convert_element_type3A_154 = arith.fptosi %div3A_153 : vector<1x1xf32> to vector<1x1xi32>
    %swap3A_155 = arith.constant 0 : index
    %swap3A_156 = arith.constant 0 : index
    %swap3A_157 = vector.load %arg7[%swap3A_155, %swap3A_156] : memref<1x1xi32, #tpu.memory_space<vmem>>, vector<1x1xi32>
    tpu.vector_store %arg7[%swap3A_155, %swap3A_156], %convert_element_type3A_154 {strides = array<i32>} : memref<1x1xi32, #tpu.memory_space<vmem>>, vector<1x1xi32>,
    %iota3A_158 = tpu.iota {dimensions = array<i32: 0>} : vector<32x1xi32>
    %convert_element_type3A_159 = arith.sitofp %iota3A_158 : vector<32x1xi32> to vector<32x1xf32>
    %div3A_160 = arith.constant 5.120000e+02 : f32
    %div3A_161 = vector.broadcast %div3A_160 : f32 to vector<1x8xf32>
    %div3A_162 = arith.divf %dot_general3A_135, %div3A_161 : vector<1x8xf32>
    %ge3A = vector.broadcast %convert_element_type3A_159 : vector<32x1xf32> to vector<32x8xf32>
    %ge3A_163 = vector.broadcast %div3A_162 : vector<1x8xf32> to vector<32x8xf32>
    %ge3A_164 = arith.cmpf oge, %ge3A, %ge3A_163 : vector<32x8xf32>
    %convert_element_type3A_165 = arith.extui %ge3A_164 : vector<32x8xi1> to vector<32x8xi32>
    %convert_element_type3A_166 = arith.sitofp %convert_element_type3A_165 : vector<32x8xi32> to vector<32x8xf32>
    %reduce_sum3A_167 = arith.constant dense<0.000000e+00> : vector<32xf32>
    %reduce_sum3A_168 = vector.multi_reduction <add>, %convert_element_type3A_166, %reduce_sum3A_167 [1] : vector<32x8xf32> to vector<32xf32>
    %broadcast_in_dim3A_169 = vector.shape_cast %reduce_sum3A_168 : vector<32xf32> to vector<32x1xf32>
    %sub3A_170 = arith.constant 1.000000e+00 : f32
    %sub3A_171 = vector.broadcast %sub3A_170 : f32 to vector<32x1xf32>
    %sub3A_172 = arith.subf %broadcast_in_dim3A_169, %sub3A_171 : vector<32x1xf32>
    %convert_element_type3A_173 = arith.fptosi %sub3A_172 : vector<32x1xf32> to vector<32x1xi32>
    %swap3A_174 = arith.constant 0 : index
    %swap3A_175 = arith.constant 0 : index
    %swap3A_176 = vector.load %arg6[%swap3A_174, %swap3A_175] : memref<32x1xi32, #tpu.memory_space<vmem>>, vector<32x1xi32>
    tpu.vector_store %arg6[%swap3A_174, %swap3A_175], %convert_element_type3A_173 {strides = array<i32>} : memref<32x1xi32, #tpu.memory_space<vmem>>, vector<32x1xi32>,
    return
  }
  func.func @transform_0(%arg0: i32) -> (i32, i32) {
    %c0_i32 = arith.constant 0 : i32
    %c0_i32_0 = arith.constant 0 : i32
    %c0_i32_1 = arith.constant 0 : i32
    return %c0_i32, %c0_i32_0 : i32, i32
  }
  func.func @transform_1(%arg0: i32) -> (i32, i32) {
    %c0_i32 = arith.constant 0 : i32
    %c0_i32_0 = arith.constant 0 : i32
    %c0_i32_1 = arith.constant 0 : i32
    return %c0_i32, %c0_i32_0 : i32, i32
  }
  func.func @transform_2(%arg0: i32) -> (i32, i32) {
    %c0_i32 = arith.constant 0 : i32
    %c0_i32_0 = arith.constant 0 : i32
    %c0_i32_1 = arith.constant 0 : i32
    return %c0_i32, %c0_i32_0 : i32, i32
  }
  func.func @transform_3(%arg0: i32) -> (i32, i32) {
    %c0_i32 = arith.constant 0 : i32
    %c0_i32_0 = arith.constant 0 : i32
    %c0_i32_1 = arith.constant 0 : i32
    return %c0_i32, %c0_i32_0 : i32, i32
  }
  func.func @transform_4(%arg0: i32) -> (i32, i32) {
    %c0_i32 = arith.constant 0 : i32
    %c0_i32_0 = arith.constant 0 : i32
    %c0_i32_1 = arith.constant 0 : i32
    return %c0_i32, %c0_i32_0 : i32, i32
  }
  func.func @transform_5(%arg0: i32) -> (i32, i32) {
    %c0_i32 = arith.constant 0 : i32
    %c0_i32_0 = arith.constant 0 : i32
    %c0_i32_1 = arith.constant 0 : i32
    return %c0_i32, %c0_i32_0 : i32, i32
  }
  func.func @transform_6(%arg0: i32) -> (i32, i32) {
    %c0_i32 = arith.constant 0 : i32
    %c0_i32_0 = arith.constant 0 : i32
    %c0_i32_1 = arith.constant 0 : i32
    return %c0_i32, %c0_i32_0 : i32, i32
  }
}

module attributes {stable_mosaic.version = 14 : i64} {
  func.func @_combine_body(%arg0: i32, %arg1: memref<1024x1024xf32, #tpu.memory_space<vmem>>, %arg2: memref<1024x1024xf32, #tpu.memory_space<vmem>>, %arg3: memref<1024x2xf32, #tpu.memory_space<vmem>>, %arg4: memref<1024x1024xf32, #tpu.memory_space<vmem>>, %arg5: memref<512x1024xf32, #tpu.memory_space<vmem>>, %arg6: memref<512x1024xf32, #tpu.memory_space<vmem>>, %arg7: memref<1024x512xf32, #tpu.memory_space<vmem>>, %arg8: memref<1024x1024xf32, #tpu.memory_space<vmem>>) attributes {dimension_semantics = [#tpu.dimension_semantics<arbitrary>], iteration_bounds = array<i64: 2>, scalar_prefetch = 0 : i64, scratch_operands = 0 : i64, tpu.core_type = #tpu.core_type<tc>, window_params = [{transform_indices = @transform_0, window_bounds = array<i64: 1024, 1024>}, {transform_indices = @transform_1, window_bounds = array<i64: 1024, 1024>}, {transform_indices = @transform_2, window_bounds = array<i64: 1024, 2>}, {transform_indices = @transform_3, window_bounds = array<i64: 1024, 1024>}, {pipeline_mode = #tpu.pipeline_mode<synchronous>, transform_indices = @transform_4, window_bounds = array<i64: 512, 1024>}, {pipeline_mode = #tpu.pipeline_mode<synchronous>, transform_indices = @transform_5, window_bounds = array<i64: 512, 1024>}, {pipeline_mode = #tpu.pipeline_mode<synchronous>, transform_indices = @transform_6, window_bounds = array<i64: 1024, 512>}, {transform_indices = @transform_7, window_bounds = array<i64: 1024, 1024>}]} {
    %get3A = arith.constant 0 : index
    %get3A_0 = arith.constant 0 : index
    %get3A_1 = vector.load %arg4[%get3A, %get3A_0] : memref<1024x1024xf32, #tpu.memory_space<vmem>>, vector<1024x1024xf32>
    %convert_element_type3A = arith.truncf %get3A_1 : vector<1024x1024xf32> to vector<1024x1024xbf16>
    %get3A_2 = arith.constant 0 : index
    %get3A_3 = arith.constant 0 : index
    %get3A_4 = vector.load %arg5[%get3A_2, %get3A_3] : memref<512x1024xf32, #tpu.memory_space<vmem>>, vector<512x1024xf32>
    %convert_element_type3A_5 = arith.truncf %get3A_4 : vector<512x1024xf32> to vector<512x1024xbf16>
    %dot_general3A = arith.constant dense<0.000000e+00> : vector<1024x512xf32>
    %dot_general3A_6 = tpu.matmul %convert_element_type3A, %convert_element_type3A_5, %dot_general3A {dimension_numbers = #tpu.dot_dimension_numbers<[1], [1], [0], [0], [0, 0, 1, 0], [], []>, transpose_lhs_hint = false} : vector<1024x1024xbf16>, vector<512x1024xbf16>, vector<1024x512xf32> -> vector<1024x512xf32>
    %get3A_7 = arith.constant 0 : index
    %get3A_8 = arith.constant 0 : index
    %get3A_9 = vector.load %arg6[%get3A_7, %get3A_8] : memref<512x1024xf32, #tpu.memory_space<vmem>>, vector<512x1024xf32>
    %convert_element_type3A_10 = arith.truncf %get3A_9 : vector<512x1024xf32> to vector<512x1024xbf16>
    %dot_general3A_11 = arith.constant dense<0.000000e+00> : vector<1024x512xf32>
    %dot_general3A_12 = tpu.matmul %convert_element_type3A, %convert_element_type3A_10, %dot_general3A_11 {dimension_numbers = #tpu.dot_dimension_numbers<[1], [1], [0], [0], [0, 0, 1, 0], [], []>, transpose_lhs_hint = false} : vector<1024x1024xbf16>, vector<512x1024xbf16>, vector<1024x512xf32> -> vector<1024x512xf32>
    %logistic3A = arith.negf %dot_general3A_6 : vector<1024x512xf32>
    %logistic3A_13 = math.exp %logistic3A : vector<1024x512xf32>
    %logistic3A_14 = arith.constant 1.000000e+00 : f32
    %logistic3A_15 = vector.broadcast %logistic3A_14 : f32 to vector<1024x512xf32>
    %logistic3A_16 = arith.addf %logistic3A_15, %logistic3A_13 : vector<1024x512xf32>
    %logistic3A_17 = arith.divf %logistic3A_15, %logistic3A_16 : vector<1024x512xf32>
    %mul3A = arith.mulf %dot_general3A_6, %logistic3A_17 : vector<1024x512xf32>
    %mul3A_18 = arith.mulf %mul3A, %dot_general3A_12 : vector<1024x512xf32>
    %convert_element_type3A_19 = arith.truncf %mul3A_18 : vector<1024x512xf32> to vector<1024x512xbf16>
    %get3A_20 = arith.constant 0 : index
    %get3A_21 = arith.constant 0 : index
    %get3A_22 = vector.load %arg7[%get3A_20, %get3A_21] : memref<1024x512xf32, #tpu.memory_space<vmem>>, vector<1024x512xf32>
    %convert_element_type3A_23 = arith.truncf %get3A_22 : vector<1024x512xf32> to vector<1024x512xbf16>
    %dot_general3A_24 = arith.constant dense<0.000000e+00> : vector<1024x1024xf32>
    %dot_general3A_25 = tpu.matmul %convert_element_type3A_19, %convert_element_type3A_23, %dot_general3A_24 {dimension_numbers = #tpu.dot_dimension_numbers<[1], [1], [0], [0], [0, 0, 1, 0], [], []>, transpose_lhs_hint = false} : vector<1024x512xbf16>, vector<1024x512xbf16>, vector<1024x1024xf32> -> vector<1024x1024xf32>
    %get3A_26 = arith.constant 0 : index
    %get3A_27 = arith.constant 0 : index
    %get3A_28 = vector.load %arg3[%get3A_26, %get3A_27] : memref<1024x2xf32, #tpu.memory_space<vmem>>, vector<1024x1xf32>
    %get3A_29 = arith.constant 0 : index
    %get3A_30 = arith.constant 1 : index
    %get3A_31 = vector.load %arg3[%get3A_29, %get3A_30] : memref<1024x2xf32, #tpu.memory_space<vmem>>, vector<1024x1xf32>
    %get3A_32 = arith.constant 0 : index
    %get3A_33 = arith.constant 0 : index
    %get3A_34 = vector.load %arg1[%get3A_32, %get3A_33] : memref<1024x1024xf32, #tpu.memory_space<vmem>>, vector<1024x1024xf32>
    %mul3A_35 = vector.broadcast %get3A_28 : vector<1024x1xf32> to vector<1024x1024xf32>
    %mul3A_36 = arith.mulf %mul3A_35, %get3A_34 : vector<1024x1024xf32>
    %add3A = arith.addf %dot_general3A_25, %mul3A_36 : vector<1024x1024xf32>
    %get3A_37 = arith.constant 0 : index
    %get3A_38 = arith.constant 0 : index
    %get3A_39 = vector.load %arg2[%get3A_37, %get3A_38] : memref<1024x1024xf32, #tpu.memory_space<vmem>>, vector<1024x1024xf32>
    %mul3A_40 = vector.broadcast %get3A_31 : vector<1024x1xf32> to vector<1024x1024xf32>
    %mul3A_41 = arith.mulf %mul3A_40, %get3A_39 : vector<1024x1024xf32>
    %add3A_42 = arith.addf %add3A, %mul3A_41 : vector<1024x1024xf32>
    %swap3A = arith.constant 0 : index
    %swap3A_43 = arith.constant 0 : index
    %swap3A_44 = vector.load %arg8[%swap3A, %swap3A_43] : memref<1024x1024xf32, #tpu.memory_space<vmem>>, vector<1024x1024xf32>
    tpu.vector_store %arg8[%swap3A, %swap3A_43], %add3A_42 {strides = array<i32>} : memref<1024x1024xf32, #tpu.memory_space<vmem>>, vector<1024x1024xf32>,
    return
  }
  func.func @transform_0(%arg0: i32) -> (i32, i32) {
    %c0_i32 = arith.constant 0 : i32
    %c0_i32_0 = arith.constant 0 : i32
    return %arg0, %c0_i32 : i32, i32
  }
  func.func @transform_1(%arg0: i32) -> (i32, i32) {
    %add3A = arith.constant 2 : i32
    %add3A_0 = arith.addi %arg0, %add3A : i32
    %c0_i32 = arith.constant 0 : i32
    %c0_i32_1 = arith.constant 0 : i32
    return %add3A_0, %c0_i32 : i32, i32
  }
  func.func @transform_2(%arg0: i32) -> (i32, i32) {
    %c0_i32 = arith.constant 0 : i32
    %c0_i32_0 = arith.constant 0 : i32
    return %arg0, %c0_i32 : i32, i32
  }
  func.func @transform_3(%arg0: i32) -> (i32, i32) {
    %c0_i32 = arith.constant 0 : i32
    %c0_i32_0 = arith.constant 0 : i32
    return %arg0, %c0_i32 : i32, i32
  }
  func.func @transform_4(%arg0: i32) -> (i32, i32) {
    %c0_i32 = arith.constant 0 : i32
    %c0_i32_0 = arith.constant 0 : i32
    %c0_i32_1 = arith.constant 0 : i32
    return %c0_i32, %c0_i32_0 : i32, i32
  }
  func.func @transform_5(%arg0: i32) -> (i32, i32) {
    %c0_i32 = arith.constant 0 : i32
    %c0_i32_0 = arith.constant 0 : i32
    %c0_i32_1 = arith.constant 0 : i32
    return %c0_i32, %c0_i32_0 : i32, i32
  }
  func.func @transform_6(%arg0: i32) -> (i32, i32) {
    %c0_i32 = arith.constant 0 : i32
    %c0_i32_0 = arith.constant 0 : i32
    %c0_i32_1 = arith.constant 0 : i32
    return %c0_i32, %c0_i32_0 : i32, i32
  }
  func.func @transform_7(%arg0: i32) -> (i32, i32) {
    %c0_i32 = arith.constant 0 : i32
    %c0_i32_0 = arith.constant 0 : i32
    return %arg0, %c0_i32 : i32, i32
  }
}

</mosaic_0001>

<sc_bundles>
// kernel: kernel.10.cloned.1.call-start
scs
__scs_entry_jumppad:
0x0: {  	(pc) =	sbr.rel $0x88, $3  }
0x1: {  	(tag) =	ssettag $0x0;
	lr =	simm.s32 $0x1  }
0x2: {  	[smem:$0x3F98] =	sst lr;
	_ =	strace $0xD0000000  }
0x3: {  	_ = 	snop  }
0x4: {  	_ = 	snop  }
0x5: {  	_ = 	snop  }
0x6: {  	_ = 	snop  }
0x7: {  	_ = 	snop  }
__scs_overlays_trampoline_lowered:
0x8: {  	[smem:$0x3FA7] =	sst s0  }
0x9: {  	[smem:$0x3FA8] =	sst s1  }
0xa: {  	[smem:$0x3FA9] =	sst s2  }
0xb: {  	[smem:$0x3FAA] =	sst s3  }
0xc: {  	[smem:$0x3FAB] =	sst s4  }
0xd: {  	[smem:$0x3FAC] =	sst s5  }
0xe: {  	[smem:$0x3FAD] =	sst s6  }
0xf: {  	[smem:$0x3FAE] =	sst s7  }
0x10: {  	[smem:$0x3FAF] =	sst s8  }
0x11: {  	[smem:$0x3FB0] =	sst s9;
	s0 =	simm.s32 @!p0 $0x0  }
0x12: {  	s1 =	sld [smem:$0x3F96];
	s0 =	simm.s32 @p0 $0x1  }
0x13: {  	[smem:$0x3FB1] =	sst s0;
	s0 =	simm.s32 @!p1 $0x0  }
0x14: {  	s2 =	sld [smem:$0x3F95];
	s0 =	simm.s32 @p1 $0x1  }
0x15: {  	[smem:$0x3FB2] =	sst s0;
	s0 =	simm.s32 @!p2 $0x0  }
0x16: {  	s3 =	sld [smem:$0x3FDB];
	s0 =	simm.s32 @p2 $0x1  }
0x17: {  	s4 =	simm.s32 $0x1BF5;
	[smem:$0x3FB4] =	sst s0  }
0x18: {  	s0 =	sld [smem:$0x3F97];
	_ =	swait.ge [sflag:s4], $0x0  }
0x19: {  	s7 =	sld [smem:$0x3F98]  }
0x1a: {  	s8 =	sadd.s32 $0xFFFFE003, lr  }
0x1b: {  	s9 =	sadd.s32 $0xFFFFFEF7, lr;
	s5 =	simm.s32 $0xFFFFFFFF;
	p2 =	slt.u32 s8, $0xFFFFF086  }
0x1c: {  	p1 =	slt.u32 s9, $0xF7A;
	s5 =	simm.s32 @!p2 $0x0  }
0x1d: {  	s5 =	simm.s32 @p1 $0x1;
	p0 =	seq.s32 s7, s2  }
0x1e: {  	s7 =	smul.u32 @!p0 $0xF7A, s2;
	p2 =	seq.s32 @!p0 s5, $0x0  }
0x1f: {  	s9 =	smul.u32 $0xF7A, s1;
	s8 =	simm.s32 @!p0 $0x1BF5;
	p2 =	por !p2, p0  }
0x20: {  	[sflag:s8] =	ssyncset.s32 @!p0 $0xFFFFF086;
	s6 =	sadd.s32 @!p0 s3, s7;
	s7 =	simm.s32 @!p0 $0x108  }
0x21: {  	s3 =	sadd.s32 s3, s9;
	s6 =	sadd.s32 @!p0 $0x88, s6;
	s7 =	simm.s32 @p2 $0x1082  }
0x22: {  	[simem:s7], [sflag:s8] =	dma.local @!p0 [hbm:s6], $0xF7A  }
0x23: {  	s9 =	sor.u32 $0xD0000000, s2;
	s6 =	simm.s32 $0x108;
	_ =	swait.ge @!p0 [sflag:s8], $0x0  }
0x24: {  	s3 =	sadd.s32 $0x88, s3;
	s6 =	simm.s32 @!p1 $0x1082;
	[sflag:s4] =	ssyncset.s32 $0xFFFFF086  }
0x25: {  	[simem:s6], [sflag:s4] =	dma.local [hbm:s3], $0xF7A  }
0x26: {  	[smem:$0x3F98] =	sst s1;
	(tag) =	ssettag s2;
	_ =	strace s9  }
0x27: {  	s1 =	sld [smem:$0x3FA8]  }
0x28: {  	s2 =	sld [smem:$0x3FA9]  }
0x29: {  	s4 =	sld [smem:$0x3FAB]  }
0x2a: {  	p0 =	seq.s32 s5, $0x0;
	s5 =	sld [smem:$0x3FAC]  }
0x2b: {  	s6 =	sld [smem:$0x3FAD]  }
0x2c: {  	s7 =	sld [smem:$0x3FAE]  }
0x2d: {  	s3 =	simm.s32 $0x108;
	s8 =	sld [smem:$0x3FAF]  }
0x2e: {  	s3 =	simm.s32 @!p0 $0x1082;
	s9 =	sld [smem:$0x3FB0]  }
0x2f: {  	lr =	sadd.s32 s0, s3;
	s0 =	sld [smem:$0x3FA7]  }
0x30: {  	s3 =	sld [smem:$0x3FAA]  }
0x31: {  	[smem:$0x3FB3] =	sst s10  }
0x32: {  	s10 =	sld [smem:$0x3FB1];
	_ =	sdelay $0x3  }
0x33: {  	p0 =	seq.s32 s10, $0x1;
	s10 =	sld [smem:$0x3FB3];
	_ =	sdelay $0x3  }
0x34: {  	[smem:$0x3FB3] =	sst s10  }
0x35: {  	s10 =	sld [smem:$0x3FB2];
	_ =	sdelay $0x3  }
0x36: {  	p1 =	seq.s32 s10, $0x1;
	s10 =	sld [smem:$0x3FB3];
	_ =	sdelay $0x3  }
0x37: {  	[smem:$0x3FB3] =	sst s10  }
0x38: {  	s10 =	sld [smem:$0x3FB4]  }
0x39: {  	_ = 	snop;
	(pc) =	sbr.ind lr, $3  }
0x3a: {  	_ = 	snop  }
0x3b: {  	_ = 	snop  }
0x3c: {  	p2 =	seq.s32 s10, $0x1;
	s10 =	sld [smem:$0x3FB3]  }
0x3d: {  	_ =	shalt  }
0x3e: {  	_ =	shalt  }
0x3f: {  	_ =	shalt  }
0x40: {  	_ =	shalt  }
0x41: {  	_ =	shalt  }
0x42: {  	_ =	shalt  }
0x43: {  	_ =	shalt  }
0x44: {  	_ =	shalt  }
0x45: {  	_ =	shalt  }
0x46: {  	_ =	shalt  }
0x47: {  	_ =	shalt  }
0x48: {  	_ =	shalt  }
0x49: {  	_ =	shalt  }
0x4a: {  	_ =	shalt  }
0x4b: {  	_ =	shalt  }
0x4c: {  	_ =	shalt  }
0x4d: {  	_ =	shalt  }
0x4e: {  	_ =	shalt  }
0x4f: {  	_ =	shalt  }
0x50: {  	_ =	shalt  }
0x51: {  	_ =	shalt  }
0x52: {  	_ =	shalt  }
0x53: {  	_ =	shalt  }
0x54: {  	_ =	shalt  }
0x55: {  	_ =	shalt  }
0x56: {  	_ =	shalt  }
0x57: {  	_ =	shalt  }
0x58: {  	_ =	shalt  }
0x59: {  	_ =	shalt  }
0x5a: {  	_ =	shalt  }
0x5b: {  	_ =	shalt  }
0x5c: {  	_ =	shalt  }
0x5d: {  	_ =	shalt  }
0x5e: {  	_ =	shalt  }
0x5f: {  	_ =	shalt  }
0x60: {  	_ =	shalt  }
0x61: {  	_ =	shalt  }
0x62: {  	_ =	shalt  }
0x63: {  	_ =	shalt  }
0x64: {  	_ =	shalt  }
0x65: {  	_ =	shalt  }
0x66: {  	_ =	shalt  }
0x67: {  	_ =	shalt  }
0x68: {  	_ =	shalt  }
0x69: {  	_ =	shalt  }
0x6a: {  	_ =	shalt  }
0x6b: {  	_ =	shalt  }
0x6c: {  	_ =	shalt  }
0x6d: {  	_ =	shalt  }
0x6e: {  	_ =	shalt  }
0x6f: {  	_ =	shalt  }
0x70: {  	_ =	shalt  }
0x71: {  	_ =	shalt  }
0x72: {  	_ =	shalt  }
0x73: {  	_ =	shalt  }
0x74: {  	_ =	shalt  }
0x75: {  	_ =	shalt  }
0x76: {  	_ =	shalt  }
0x77: {  	_ =	shalt  }
0x78: {  	_ =	shalt  }
0x79: {  	_ =	shalt  }
0x7a: {  	_ =	shalt  }
0x7b: {  	_ =	shalt  }
0x7c: {  	_ =	shalt  }
0x7d: {  	_ =	shalt  }
0x7e: {  	_ =	shalt  }
0x7f: {  	_ =	shalt  }
0x80: {  	_ =	shalt  }
0x81: {  	_ =	shalt  }
0x82: {  	_ =	shalt  }
0x83: {  	_ =	shalt  }
0x84: {  	_ =	shalt  }
0x85: {  	_ =	shalt  }
0x86: {  	_ =	shalt  }
0x87: {  	_ =	shalt  }
.Lfunc_end0:
.L_simem_size_0:
called_computation.1_lowered:
.L_overlay_start_0:
0x88: {  	s2 =	sld [smem:$0x3FD9]  }
0x89: {  	s3 =	sld [smem:$0x3FFE];
	_ =	sdelay $0x1  }
0x8a: {  	s1 =	srdreg.scid  }
0x8b: {  	s0 =	sand.u32 $0x1, s1  }
0x8c: {  	s17 =	sshll.u32 s0, $0xA;
	s2 =	sadd.s32 s3, s2  }
0x8d: {  	s2 =	sadd.s32 s2, s17  }
0x8e: {  	[smem:$0x3FBF] =	sst s2  }
0x8f: {  	_ = 	snop  }
0x90: {  	s2 =	sld [smem:$0x3FD0];
	(tm) =	ssettm $0x1  }
0x91: {  	s18 =	sld [smem:$0x3FFB];
	_ =	sdelay $0x3  }
0x92: {  	_ =	strace s18  }
0x93: {  	s3 =	sld [smem:$0x3FFC];
	_ =	sdelay $0x3  }
0x94: {  	_ =	strace s3  }
0x95: {  	s3 =	sld [smem:$0x3FFD];
	_ =	sdelay $0x3  }
0x96: {  	_ =	strace s3  }
0x97: {  	_ =	strace $0x8FFFFFFF  }
0x98: {  	s19 =	sld [smem:$0x3FDB];
	_ =	sdelay $0x1  }
0x99: {  	s4 =	simm.s32 $_scs_section_size  }
0x9a: {  	s5 =	simm.s32 $_size__tile_overlayer_lowered;
	s6 =	simm.s32 $_tile_overlayer_lowered  }
0x9b: {  	s22 =	simm.s32 $0x1BFF;
	s21 =	sshll.u32 s6, $0x1;
	s3 =	sadd.s32 s4, s19  }
0x9c: {  	s7 =	simm.s32 $0x0;
	s20 =	sshll.u32 s5, $0x1;
	s5 =	sadd.s32 s21, s3  }
0x9d: {  	[timem:s7], [sflag:s22] =	dma.local [hbm:s5], s20  }
0x9e: {  	_ =	swait.ge [sflag:s22], s20  }
0x9f: {  	s4 =	ssub.s32 $0x0, s20;
	[sflag:s22] =	ssyncset.done $0x0  }
0xa0: {  	[sflag:s22] =	ssyncadd.s32 s4;
	_ =	sdelay $0x1  }
0xa1: {  	s23 =	simm.s32 $0x1B8B  }
0xa2: {  	_ =	swait.ge [sflag:s23], $0x1  }
0xa3: {  	[sflag:s23] =	ssyncset.done $0x0  }
0xa4: {  	s25 =	simm.s32 $0x1B8E;
	s24 =	sld [smem:$0x3FFE];
	[sflag:s23] =	ssyncadd.s32 $0xFFFFFFFF  }
0xa5: {  	s26 =	simm.s32 $execute0_lowered;
	[smem:$0x3FD2] =	sst s25  }
0xa6: {  	s5 =	sshll.u32 s26, $0x1;
	_ =	strace $0x80000049;
	[dreg:$0x1] =	wrdreg $0xFFFFFFFF  }
0xa7: {  	s28 =	simm.s32 $_size_execute0_lowered;
	s3 =	sadd.s32 s3, s5;
	[dreg:$0x0] =	wrdreg $0x0  }
0xa8: {  	s5 =	sshll.u32 s28, $0x1;
	[dreg:$0x2] =	wrdreg s3  }
0xa9: {  	[dreg:$0x3] =	wrdreg s5  }
0xaa: {  	[dreg:$0x4] =	wrdreg $0xC0  }
0xab: {  	_ =	task [dreg:s7], $0x5FFFF  }
0xac: {  	[dreg:$0x1] =	wrdreg $0xFFFFFFFF  }
0xad: {  	[dreg:$0x0] =	wrdreg $0x60  }
0xae: {  	[dreg:$0x2] =	wrdreg s24  }
0xaf: {  	[dreg:$0x3] =	wrdreg s2  }
0xb0: {  	[dreg:$0x4] =	wrdreg $0x9  }
0xb1: {  	_ =	task.clear_ibuf [dreg:s7], $0x5FFFF;
	_ =	strace $0x90000049  }
0xb2: {  	s29 =	simm.s32 $0x9;
	_ =	strace $0x8000004B  }
0xb3: {  	_ =	swait.ge [sflag:s29], $0x1  }
0xb4: {  	[sflag:s29] =	ssyncadd.s32 $0xFFFFFFFF  }
0xb5: {  	_ =	strace $0x9000004B  }
0xb6: {  	_ =	sfence  }
0xb7: {  	s30 =	sld [smem:$0x0];
	_ =	sdelay $0x2  }
0xb8: {  	s31 =	sshll.u32 s1, $0xD;
	s1 =	sshrl.u32 s1, $0x2  }
0xb9: {  	s3 =	sand.u32 $0x4000, s31;
	s1 =	sadd.s32 s1, s30  }
0xba: {  	s0 =	sor.u32 s3, s0;
	s1 =	sshll.u32 s1, $0x11  }
0xbb: {  	s0 =	sor.u32 s1, s0  }
0xbc: {  	s0 =	sadd.s32 $0x8F2B, s0  }
0xbd: {  	[sflag:s0] =	ssyncadd.remote.s32 $0x1  }
0xbe: {  	_ =	sfence.sel $0xFFFF  }
0xbf: {  	[dreg:$0x0] =	wrdreg $0xFFFFFFFF;
	(pc) =	sbr.abs _section_cstart, $3  }
0xc0: {  	[dreg:$0x1] =	wrdreg $0xFFFFFFFF  }
0xc1: {  	_ =	task.clear_ibuf [dreg:s7], $0x2FFFF;
	_ =	strace $0x9FFFFFFF  }
0xc2: {  	(tm) =	ssettm $0x7FFFFFFF  }
0xc3: {  	_ =	shalt  }
tec
execute0_lowered:
.L_overlay_start_1:
0x0: {  	(tag) =	ssettag $0x1  }
0x1: {  	s0 =	rddreg [dreg:$0x0]  }
0x2: {  	s1 =	rddreg [dreg:$0x1]  }
0x3: {  	s2 =	simm.s32 $0x0;
	s3 =	srdreg.scid;
	s5 =	stileid.u32  }
0x4: {  	s18 =	simm.s32 $0x1;
	s20 =	simm.s32 $0xA00;
	s21 =	simm.s32 $0x1200  }
0x5: {  	s22 =	simm.s32 $0x1A00;
	s28 =	simm.s32 $0x4200;
	s29 =	simm.s32 $0x4A00  }
0x6: {  	s30 =	simm.s32 $0x5200;
	s31 =	simm.s32 $0x5A00;
	[smem:$0x7FF] =	sst s2  }
0x7: {  	s4 =	sand.u32 $0x1, s3;
	s23 =	sshll.u32 s5, $0x1;
	s3 =	sadd.s32 $0x102600, s0  }
0x8: {  	s7 =	sadd.s32 $0x2400, s0;
	_ =	strace $0x8000004A;
	s5 =	sor.u32 s4, s23  }
0x9: {  	s4 =	ssub.s32 $0x2, s4;
	s23 =	simm.s32 $0x2200;
	s6 =	sshll.u32 s5, $0x5  }
0xa: {  	s8 =	sshrl.u32 s4, $0x1;
	s10 =	sshll.u32 s5, $0x7;
	s25 =	sshll.u32 s5, $0xE  }
0xb: {  	s5 =	sadd.s32 $0x102800, s0;
	s1 =	sadd.s32 s1, s6;
	s8 =	ssub.s32 s4, s8  }
0xc: {  	s24 =	sor.u32 $0x10, s10;
	s11 =	sor.u32 $0x20, s10;
	s12 =	sor.u32 $0x30, s10  }
0xd: {  	s13 =	sor.u32 $0x40, s10;
	s14 =	sor.u32 $0x50, s10;
	s15 =	sor.u32 $0x60, s10  }
0xe: {  	v10 =	vlaneseq.u32;
	s16 =	sor.u32 $0x70, s10;
	s4 =	sadd.s32 $0x102700, s0;
	s9 =	sadd.s32 s7, s25  }
0xf: {  	vm0 =	vmmov $0xffff;
	v8 =	vand.u32 $0x7, v10;
	v9 =	vshrl.u32 v10, $0x3;
	s6 =	sadd.s32 $0x102900, s0;
	s0 =	simm.s32 $0x200;
	s25 =	simm.s32 $0x3200  }
0x10: {  	v9 =	vmul.u32 $0x8, v9;
	v0 =	vor.u32 s10, v10;
	s10 =	simm.s32 $0x7200;
	[dreg:$0x3] =	wrdreg s1;
	s17 =	sshll.u32 s13, $0x7;
	v1 =	vor.u32 s24, v10  }
0x11: {  	[dreg:$0x4] =	wrdreg s9;
	v2 =	vor.u32 s11, v10;
	v3 =	vor.u32 s12, v10;
	v4 =	vor.u32 s13, v10;
	s24 =	simm.s32 $0x2A00;
	s11 =	simm.s32 $0x7A00  }
0x12: {  	v5 =	vor.u32 s14, v10;
	v6 =	vor.u32 s15, v10;
	v7 =	vor.u32 s16, v10;
	s12 =	simm.s32 $0x8200;
	s13 =	simm.s32 $0x8A00;
	s14 =	simm.s32 $0x9200  }
0x13: {  	v0 =	vand.u32 $0x78F, v0;
	v10 =	vor.u32 $0x8, v10;
	s15 =	simm.s32 $0x9A00;
	s16 =	simm.s32 $0xA200;
	s9 =	simm.s32 $0xB200;
	v1 =	vand.u32 $0x79F, v1  }
0x14: {  	s26 =	sadd.s32 s7, s17;
	s7 =	smax.u32 s8, $0x1;
	s8 =	simm.s32 $0x2;
	v2 =	vand.u32 $0x7AF, v2;
	v3 =	vand.u32 $0x7BF, v3;
	v4 =	vand.u32 $0x7CF, v4  }
0x15: {  	v5 =	vand.u32 $0x7DF, v5;
	v6 =	vand.u32 $0x7EF, v6;
	v7 =	vand.u32 $0x7FF, v7;
	s17 =	simm.s32 $0xAA00;
	[dreg:$0x5] =	wrdreg s26;
	s26 =	simm.s32 $0x3A00  }
.LBB2_1:
0x16: {  	s19 =	rddreg [dreg:$0x3]  }
0x17: {  	[tilespmem:s2], [sflag:$0x2] =	stream.linear.gather [hbm4b:s19+s2], $0x100, $0x38;
	[tilespmem:$0x10200] =	vst v63  }
0x18: {  	_ =	swait.ge [sflag:s8], $0x100  }
0x19: {  	[sflag:s8] =	ssyncset.done $0x0  }
0x1a: {  	[sflag:s8] =	ssyncadd.s32 $0xFFFFFF00  }
0x1b: {  	v11 =	vld [tilespmem:$0x0];
	_ =	sdelay $0x4  }
0x1c: {  	v12 =	vshll.u32 v11, $0x3  }
0x1d: {  	v11 =	vand.u32 $0x7, v11;
	v12 =	vand.u32 $0xFFFFFFC0, v12  }
0x1e: {  	[tilespmem:$0x100] =	vst v0;
	v11 =	vor.u32 v11, v12  }
0x1f: {  	[tilespmem:$0x110] =	vst v1;
	v12 =	vperm.xlane v11, v8  }
0x20: {  	[tilespmem:$0x120] =	vst v2  }
0x21: {  	[tilespmem:$0x130] =	vst v3;
	v12 =	vadd.s32 v9, v12  }
0x22: {  	[tilespmem:$0x180] =	vst v4  }
0x23: {  	[tilespmem:$0x190] =	vst v5  }
0x24: {  	[tilespmem:$0x1A0] =	vst v6  }
0x25: {  	[tilespmem:$0x1B0] =	vst v7  }
0x26: {  	[tilespmem:s0], [sflag:$0x1] =	stream.indirect_vreg.gather [hbm4b:s3+s2], $0x80, v12, vm0, $0xb8;
	[tilespmem:$0x10200] =	vst v63  }
0x27: {  	v11 =	vperm.xlane v11, v10  }
0x28: {  	[tilespmem:s20], [sflag:$0x1] =	stream.indirect_vreg.gather [hbm4b:s4+s2], $0x80, v12, vm0, $0xb8;
	[tilespmem:$0x10200] =	vst v63  }
0x29: {  	v11 =	vadd.s32 v9, v11  }
0x2a: {  	[tilespmem:s21], [sflag:$0x1] =	stream.indirect_vreg.gather [hbm4b:s5+s2], $0x80, v12, vm0, $0xb8;
	[tilespmem:$0x10200] =	vst v63  }
0x2b: {  	_ = 	snop  }
0x2c: {  	[tilespmem:s22], [sflag:$0x1] =	stream.indirect_vreg.gather [hbm4b:s6+s2], $0x80, v12, vm0, $0xb8;
	[tilespmem:$0x10200] =	vst v63  }
0x2d: {  	_ = 	snop  }
0x2e: {  	[tilespmem:s23], [sflag:$0x1] =	stream.indirect_vreg.gather [hbm4b:s3+s2], $0x80, v11, vm0, $0xb8;
	[tilespmem:$0x10200] =	vst v63  }
0x2f: {  	_ = 	snop  }
0x30: {  	[tilespmem:s24], [sflag:$0x1] =	stream.indirect_vreg.gather [hbm4b:s4+s2], $0x80, v11, vm0, $0xb8;
	[tilespmem:$0x10200] =	vst v63  }
0x31: {  	_ = 	snop  }
0x32: {  	[tilespmem:s25], [sflag:$0x1] =	stream.indirect_vreg.gather [hbm4b:s5+s2], $0x80, v11, vm0, $0xb8;
	[tilespmem:$0x10200] =	vst v63  }
0x33: {  	_ = 	snop  }
0x34: {  	[tilespmem:s26], [sflag:$0x1] =	stream.indirect_vreg.gather [hbm4b:s6+s2], $0x80, v11, vm0, $0xb8;
	[tilespmem:$0x10200] =	vst v63  }
0x35: {  	v11 =	vld [tilespmem:$0x10];
	_ =	sdelay $0x4  }
0x36: {  	v57 =	vshll.u32 v11, $0x3  }
0x37: {  	v11 =	vand.u32 $0x7, v11;
	v12 =	vand.u32 $0xFFFFFFC0, v57  }
0x38: {  	v11 =	vor.u32 v11, v12  }
0x39: {  	v12 =	vperm.xlane v11, v8;
	_ =	sdelay $0x1  }
0x3a: {  	v12 =	vadd.s32 v9, v12;
	_ =	sdelay $0x4  }
0x3b: {  	[tilespmem:s28], [sflag:$0x1] =	stream.indirect_vreg.gather [hbm4b:s3+s2], $0x80, v12, vm0, $0xb8;
	[tilespmem:$0x10200] =	vst v63  }
0x3c: {  	v11 =	vperm.xlane v11, v10  }
0x3d: {  	[tilespmem:s29], [sflag:$0x1] =	stream.indirect_vreg.gather [hbm4b:s4+s2], $0x80, v12, vm0, $0xb8;
	[tilespmem:$0x10200] =	vst v63  }
0x3e: {  	v11 =	vadd.s32 v9, v11  }
0x3f: {  	[tilespmem:s30], [sflag:$0x1] =	stream.indirect_vreg.gather [hbm4b:s5+s2], $0x80, v12, vm0, $0xb8;
	[tilespmem:$0x10200] =	vst v63  }
0x40: {  	_ = 	snop  }
0x41: {  	[tilespmem:s31], [sflag:$0x1] =	stream.indirect_vreg.gather [hbm4b:s6+s2], $0x80, v12, vm0, $0xb8;
	[tilespmem:$0x10200] =	vst v63  }
0x42: {  	s1 =	simm.s32 $0x6200  }
0x43: {  	[tilespmem:s1], [sflag:$0x1] =	stream.indirect_vreg.gather [hbm4b:s3+s2], $0x80, v11, vm0, $0xb8;
	[tilespmem:$0x10200] =	vst v63  }
0x44: {  	s1 =	simm.s32 $0x6A00  }
0x45: {  	[tilespmem:s1], [sflag:$0x1] =	stream.indirect_vreg.gather [hbm4b:s4+s2], $0x80, v11, vm0, $0xb8;
	[tilespmem:$0x10200] =	vst v63  }
0x46: {  	_ = 	snop  }
0x47: {  	[tilespmem:s10], [sflag:$0x1] =	stream.indirect_vreg.gather [hbm4b:s5+s2], $0x80, v11, vm0, $0xb8;
	[tilespmem:$0x10200] =	vst v63  }
0x48: {  	_ = 	snop  }
0x49: {  	[tilespmem:s11], [sflag:$0x1] =	stream.indirect_vreg.gather [hbm4b:s6+s2], $0x80, v11, vm0, $0xb8;
	[tilespmem:$0x10200] =	vst v63  }
0x4a: {  	v11 =	vld [tilespmem:$0x20];
	_ =	sdelay $0x4  }
0x4b: {  	v58 =	vshll.u32 v11, $0x3  }
0x4c: {  	v11 =	vand.u32 $0x7, v11;
	v12 =	vand.u32 $0xFFFFFFC0, v58  }
0x4d: {  	v11 =	vor.u32 v11, v12  }
0x4e: {  	v12 =	vperm.xlane v11, v8;
	_ =	sdelay $0x1  }
0x4f: {  	v12 =	vadd.s32 v9, v12;
	_ =	sdelay $0x4  }
0x50: {  	[tilespmem:s12], [sflag:$0x1] =	stream.indirect_vreg.gather [hbm4b:s3+s2], $0x80, v12, vm0, $0xb8;
	[tilespmem:$0x10200] =	vst v63  }
0x51: {  	v11 =	vperm.xlane v11, v10  }
0x52: {  	[tilespmem:s13], [sflag:$0x1] =	stream.indirect_vreg.gather [hbm4b:s4+s2], $0x80, v12, vm0, $0xb8;
	[tilespmem:$0x10200] =	vst v63  }
0x53: {  	v11 =	vadd.s32 v9, v11  }
0x54: {  	[tilespmem:s14], [sflag:$0x1] =	stream.indirect_vreg.gather [hbm4b:s5+s2], $0x80, v12, vm0, $0xb8;
	[tilespmem:$0x10200] =	vst v63  }
0x55: {  	_ = 	snop  }
0x56: {  	[tilespmem:s15], [sflag:$0x1] =	stream.indirect_vreg.gather [hbm4b:s6+s2], $0x80, v12, vm0, $0xb8;
	[tilespmem:$0x10200] =	vst v63  }
0x57: {  	_ = 	snop  }
0x58: {  	[tilespmem:s16], [sflag:$0x1] =	stream.indirect_vreg.gather [hbm4b:s3+s2], $0x80, v11, vm0, $0xb8;
	[tilespmem:$0x10200] =	vst v63  }
0x59: {  	_ = 	snop  }
0x5a: {  	[tilespmem:s17], [sflag:$0x1] =	stream.indirect_vreg.gather [hbm4b:s4+s2], $0x80, v11, vm0, $0xb8;
	[tilespmem:$0x10200] =	vst v63  }
0x5b: {  	_ = 	snop  }
0x5c: {  	[tilespmem:s9], [sflag:$0x1] =	stream.indirect_vreg.gather [hbm4b:s5+s2], $0x80, v11, vm0, $0xb8;
	[tilespmem:$0x10200] =	vst v63  }
0x5d: {  	s19 =	simm.s32 $0xBA00  }
0x5e: {  	[tilespmem:s19], [sflag:$0x1] =	stream.indirect_vreg.gather [hbm4b:s6+s2], $0x80, v11, vm0, $0xb8;
	[tilespmem:$0x10200] =	vst v63  }
0x5f: {  	v11 =	vld [tilespmem:$0x30];
	_ =	sdelay $0x4  }
0x60: {  	v59 =	vshll.u32 v11, $0x3  }
0x61: {  	v11 =	vand.u32 $0x7, v11;
	v12 =	vand.u32 $0xFFFFFFC0, v59  }
0x62: {  	v11 =	vor.u32 v11, v12  }
0x63: {  	v12 =	vperm.xlane v11, v8;
	_ =	sdelay $0x1  }
0x64: {  	v12 =	vadd.s32 v9, v12;
	_ =	sdelay $0x3  }
0x65: {  	s19 =	simm.s32 $0xC200  }
0x66: {  	[tilespmem:s19], [sflag:$0x1] =	stream.indirect_vreg.gather [hbm4b:s3+s2], $0x80, v12, vm0, $0xb8;
	[tilespmem:$0x10200] =	vst v63  }
0x67: {  	v11 =	vperm.xlane v11, v10;
	s19 =	simm.s32 $0xCA00  }
0x68: {  	[tilespmem:s19], [sflag:$0x1] =	stream.indirect_vreg.gather [hbm4b:s4+s2], $0x80, v12, vm0, $0xb8;
	[tilespmem:$0x10200] =	vst v63  }
0x69: {  	v11 =	vadd.s32 v9, v11;
	s19 =	simm.s32 $0xD200  }
0x6a: {  	[tilespmem:s19], [sflag:$0x1] =	stream.indirect_vreg.gather [hbm4b:s5+s2], $0x80, v12, vm0, $0xb8;
	[tilespmem:$0x10200] =	vst v63  }
0x6b: {  	s19 =	simm.s32 $0xDA00  }
0x6c: {  	[tilespmem:s19], [sflag:$0x1] =	stream.indirect_vreg.gather [hbm4b:s6+s2], $0x80, v12, vm0, $0xb8;
	[tilespmem:$0x10200] =	vst v63  }
0x6d: {  	s19 =	simm.s32 $0xE200  }
0x6e: {  	[tilespmem:s19], [sflag:$0x1] =	stream.indirect_vreg.gather [hbm4b:s3+s2], $0x80, v11, vm0, $0xb8;
	[tilespmem:$0x10200] =	vst v63  }
0x6f: {  	s19 =	simm.s32 $0xEA00  }
0x70: {  	[tilespmem:s19], [sflag:$0x1] =	stream.indirect_vreg.gather [hbm4b:s4+s2], $0x80, v11, vm0, $0xb8;
	[tilespmem:$0x10200] =	vst v63  }
0x71: {  	s19 =	simm.s32 $0xF200  }
0x72: {  	[tilespmem:s19], [sflag:$0x1] =	stream.indirect_vreg.gather [hbm4b:s5+s2], $0x80, v11, vm0, $0xb8;
	[tilespmem:$0x10200] =	vst v63  }
0x73: {  	s19 =	simm.s32 $0xFA00  }
0x74: {  	[tilespmem:s19], [sflag:$0x1] =	stream.indirect_vreg.gather [hbm4b:s6+s2], $0x80, v11, vm0, $0xb8;
	[tilespmem:$0x10200] =	vst v63  }
0x75: {  	_ =	swait.ge [sflag:s18], $0x10000  }
0x76: {  	[sflag:s18] =	ssyncset.done $0x0  }
0x77: {  	s19 =	rddreg [dreg:$0x4];
	[sflag:s18] =	ssyncadd.s32 $0xFFFF0000  }
0x78: {  	[hbm4b:s19+s2] =	stream.linear.scatter [tilespmem:s0], [sflag:$0x2], $0x10000, $0x38;
	[tilespmem:$0x10200] =	vst v63  }
0x79: {  	_ =	swait.ge [sflag:s8], $0x10000  }
0x7a: {  	[sflag:s8] =	ssyncset.done $0x0  }
0x7b: {  	[sflag:s8] =	ssyncadd.s32 $0xFFFF0000  }
0x7c: {  	v11 =	vld [tilespmem:$0x80];
	_ =	sdelay $0x4  }
0x7d: {  	v60 =	vshll.u32 v11, $0x3  }
0x7e: {  	v11 =	vand.u32 $0x7, v11;
	v12 =	vand.u32 $0xFFFFFFC0, v60  }
0x7f: {  	v11 =	vor.u32 v11, v12  }
0x80: {  	v12 =	vperm.xlane v11, v8;
	_ =	sdelay $0x1  }
0x81: {  	v12 =	vadd.s32 v9, v12;
	_ =	sdelay $0x4  }
0x82: {  	[tilespmem:s0], [sflag:$0x1] =	stream.indirect_vreg.gather [hbm4b:s3+s2], $0x80, v12, vm0, $0xb8;
	[tilespmem:$0x10200] =	vst v63  }
0x83: {  	v11 =	vperm.xlane v11, v10  }
0x84: {  	[tilespmem:s20], [sflag:$0x1] =	stream.indirect_vreg.gather [hbm4b:s4+s2], $0x80, v12, vm0, $0xb8;
	[tilespmem:$0x10200] =	vst v63  }
0x85: {  	v11 =	vadd.s32 v9, v11  }
0x86: {  	[tilespmem:s21], [sflag:$0x1] =	stream.indirect_vreg.gather [hbm4b:s5+s2], $0x80, v12, vm0, $0xb8;
	[tilespmem:$0x10200] =	vst v63  }
0x87: {  	_ = 	snop  }
0x88: {  	[tilespmem:s22], [sflag:$0x1] =	stream.indirect_vreg.gather [hbm4b:s6+s2], $0x80, v12, vm0, $0xb8;
	[tilespmem:$0x10200] =	vst v63  }
0x89: {  	_ = 	snop  }
0x8a: {  	[tilespmem:s23], [sflag:$0x1] =	stream.indirect_vreg.gather [hbm4b:s3+s2], $0x80, v11, vm0, $0xb8;
	[tilespmem:$0x10200] =	vst v63  }
0x8b: {  	_ = 	snop  }
0x8c: {  	[tilespmem:s24], [sflag:$0x1] =	stream.indirect_vreg.gather [hbm4b:s4+s2], $0x80, v11, vm0, $0xb8;
	[tilespmem:$0x10200] =	vst v63  }
0x8d: {  	_ = 	snop  }
0x8e: {  	[tilespmem:s25], [sflag:$0x1] =	stream.indirect_vreg.gather [hbm4b:s5+s2], $0x80, v11, vm0, $0xb8;
	[tilespmem:$0x10200] =	vst v63  }
0x8f: {  	_ = 	snop  }
0x90: {  	[tilespmem:s26], [sflag:$0x1] =	stream.indirect_vreg.gather [hbm4b:s6+s2], $0x80, v11, vm0, $0xb8;
	[tilespmem:$0x10200] =	vst v63  }
0x91: {  	v11 =	vld [tilespmem:$0x90];
	_ =	sdelay $0x4  }
0x92: {  	v61 =	vshll.u32 v11, $0x3  }
0x93: {  	v11 =	vand.u32 $0x7, v11;
	v12 =	vand.u32 $0xFFFFFFC0, v61  }
0x94: {  	v11 =	vor.u32 v11, v12  }
0x95: {  	v12 =	vperm.xlane v11, v8;
	_ =	sdelay $0x1  }
0x96: {  	v12 =	vadd.s32 v9, v12;
	_ =	sdelay $0x4  }
0x97: {  	[tilespmem:s28], [sflag:$0x1] =	stream.indirect_vreg.gather [hbm4b:s3+s2], $0x80, v12, vm0, $0xb8;
	[tilespmem:$0x10200] =	vst v63  }
0x98: {  	v11 =	vperm.xlane v11, v10  }
0x99: {  	[tilespmem:s29], [sflag:$0x1] =	stream.indirect_vreg.gather [hbm4b:s4+s2], $0x80, v12, vm0, $0xb8;
	[tilespmem:$0x10200] =	vst v63  }
0x9a: {  	v11 =	vadd.s32 v9, v11  }
0x9b: {  	[tilespmem:s30], [sflag:$0x1] =	stream.indirect_vreg.gather [hbm4b:s5+s2], $0x80, v12, vm0, $0xb8;
	[tilespmem:$0x10200] =	vst v63  }
0x9c: {  	_ = 	snop  }
0x9d: {  	[tilespmem:s31], [sflag:$0x1] =	stream.indirect_vreg.gather [hbm4b:s6+s2], $0x80, v12, vm0, $0xb8;
	[tilespmem:$0x10200] =	vst v63  }
0x9e: {  	s19 =	simm.s32 $0x6200  }
0x9f: {  	[tilespmem:s19], [sflag:$0x1] =	stream.indirect_vreg.gather [hbm4b:s3+s2], $0x80, v11, vm0, $0xb8;
	[tilespmem:$0x10200] =	vst v63  }
0xa0: {  	_ = 	snop  }
0xa1: {  	[tilespmem:s1], [sflag:$0x1] =	stream.indirect_vreg.gather [hbm4b:s4+s2], $0x80, v11, vm0, $0xb8;
	[tilespmem:$0x10200] =	vst v63  }
0xa2: {  	_ = 	snop  }
0xa3: {  	[tilespmem:s10], [sflag:$0x1] =	stream.indirect_vreg.gather [hbm4b:s5+s2], $0x80, v11, vm0, $0xb8;
	[tilespmem:$0x10200] =	vst v63  }
0xa4: {  	_ = 	snop  }
0xa5: {  	[tilespmem:s11], [sflag:$0x1] =	stream.indirect_vreg.gather [hbm4b:s6+s2], $0x80, v11, vm0, $0xb8;
	[tilespmem:$0x10200] =	vst v63  }
0xa6: {  	v11 =	vld [tilespmem:$0xA0];
	_ =	sdelay $0x4  }
0xa7: {  	v62 =	vshll.u32 v11, $0x3  }
0xa8: {  	v11 =	vand.u32 $0x7, v11;
	v12 =	vand.u32 $0xFFFFFFC0, v62  }
0xa9: {  	v11 =	vor.u32 v11, v12  }
0xaa: {  	v12 =	vperm.xlane v11, v8;
	_ =	sdelay $0x1  }
0xab: {  	v12 =	vadd.s32 v9, v12;
	_ =	sdelay $0x4  }
0xac: {  	[tilespmem:s12], [sflag:$0x1] =	stream.indirect_vreg.gather [hbm4b:s3+s2], $0x80, v12, vm0, $0xb8;
	[tilespmem:$0x10200] =	vst v63  }
0xad: {  	v11 =	vperm.xlane v11, v10  }
0xae: {  	[tilespmem:s13], [sflag:$0x1] =	stream.indirect_vreg.gather [hbm4b:s4+s2], $0x80, v12, vm0, $0xb8;
	[tilespmem:$0x10200] =	vst v63  }
0xaf: {  	v11 =	vadd.s32 v9, v11  }
0xb0: {  	[tilespmem:s14], [sflag:$0x1] =	stream.indirect_vreg.gather [hbm4b:s5+s2], $0x80, v12, vm0, $0xb8;
	[tilespmem:$0x10200] =	vst v63  }
0xb1: {  	_ = 	snop  }
0xb2: {  	[tilespmem:s15], [sflag:$0x1] =	stream.indirect_vreg.gather [hbm4b:s6+s2], $0x80, v12, vm0, $0xb8;
	[tilespmem:$0x10200] =	vst v63  }
0xb3: {  	_ = 	snop  }
0xb4: {  	[tilespmem:s16], [sflag:$0x1] =	stream.indirect_vreg.gather [hbm4b:s3+s2], $0x80, v11, vm0, $0xb8;
	[tilespmem:$0x10200] =	vst v63  }
0xb5: {  	_ = 	snop  }
0xb6: {  	[tilespmem:s17], [sflag:$0x1] =	stream.indirect_vreg.gather [hbm4b:s4+s2], $0x80, v11, vm0, $0xb8;
	[tilespmem:$0x10200] =	vst v63  }
0xb7: {  	_ = 	snop  }
0xb8: {  	[tilespmem:s9], [sflag:$0x1] =	stream.indirect_vreg.gather [hbm4b:s5+s2], $0x80, v11, vm0, $0xb8;
	[tilespmem:$0x10200] =	vst v63  }
0xb9: {  	s19 =	simm.s32 $0xBA00  }
0xba: {  	[tilespmem:s19], [sflag:$0x1] =	stream.indirect_vreg.gather [hbm4b:s6+s2], $0x80, v11, vm0, $0xb8;
	[tilespmem:$0x10200] =	vst v63  }
0xbb: {  	v11 =	vld [tilespmem:$0xB0];
	_ =	sdelay $0x4  }
0xbc: {  	v63 =	vshll.u32 v11, $0x3  }
0xbd: {  	v11 =	vand.u32 $0x7, v11;
	v12 =	vand.u32 $0xFFFFFFC0, v63  }
0xbe: {  	v11 =	vor.u32 v11, v12  }
0xbf: {  	v12 =	vperm.xlane v11, v8;
	_ =	sdelay $0x1  }
0xc0: {  	v12 =	vadd.s32 v9, v12;
	_ =	sdelay $0x3  }
0xc1: {  	s19 =	simm.s32 $0xC200  }
0xc2: {  	[tilespmem:s19], [sflag:$0x1] =	stream.indirect_vreg.gather [hbm4b:s3+s2], $0x80, v12, vm0, $0xb8;
	[tilespmem:$0x10200] =	vst v63  }
0xc3: {  	v11 =	vperm.xlane v11, v10;
	s19 =	simm.s32 $0xCA00  }
0xc4: {  	[tilespmem:s19], [sflag:$0x1] =	stream.indirect_vreg.gather [hbm4b:s4+s2], $0x80, v12, vm0, $0xb8;
	[tilespmem:$0x10200] =	vst v63  }
0xc5: {  	v11 =	vadd.s32 v9, v11;
	s19 =	simm.s32 $0xD200  }
0xc6: {  	[tilespmem:s19], [sflag:$0x1] =	stream.indirect_vreg.gather [hbm4b:s5+s2], $0x80, v12, vm0, $0xb8;
	[tilespmem:$0x10200] =	vst v63  }
0xc7: {  	s19 =	simm.s32 $0xDA00  }
0xc8: {  	[tilespmem:s19], [sflag:$0x1] =	stream.indirect_vreg.gather [hbm4b:s6+s2], $0x80, v12, vm0, $0xb8;
	[tilespmem:$0x10200] =	vst v63  }
0xc9: {  	s19 =	simm.s32 $0xE200  }
0xca: {  	[tilespmem:s19], [sflag:$0x1] =	stream.indirect_vreg.gather [hbm4b:s3+s2], $0x80, v11, vm0, $0xb8;
	[tilespmem:$0x10200] =	vst v63  }
0xcb: {  	s19 =	simm.s32 $0xEA00  }
0xcc: {  	[tilespmem:s19], [sflag:$0x1] =	stream.indirect_vreg.gather [hbm4b:s4+s2], $0x80, v11, vm0, $0xb8;
	[tilespmem:$0x10200] =	vst v63  }
0xcd: {  	s19 =	simm.s32 $0xF200  }
0xce: {  	[tilespmem:s19], [sflag:$0x1] =	stream.indirect_vreg.gather [hbm4b:s5+s2], $0x80, v11, vm0, $0xb8;
	[tilespmem:$0x10200] =	vst v63  }
0xcf: {  	s19 =	simm.s32 $0xFA00  }
0xd0: {  	[tilespmem:s19], [sflag:$0x1] =	stream.indirect_vreg.gather [hbm4b:s6+s2], $0x80, v11, vm0, $0xb8;
	[tilespmem:$0x10200] =	vst v63  }
0xd1: {  	_ =	swait.ge [sflag:s18], $0x10000  }
0xd2: {  	p0 =	sne.s32 s7, $0x1;
	[sflag:s18] =	ssyncset.done $0x0  }
.Ltmp0:
0xd3: {  	s1 =	rddreg [dreg:$0x5];
	[sflag:s18] =	ssyncadd.s32 $0xFFFF0000;
	(pc) =	sbr.rel @p0 .LBB2_1-.Ltmp0, $4  }
0xd4: {  	[hbm4b:s1+s2] =	stream.linear.scatter [tilespmem:s0], [sflag:$0x2], $0x10000, $0x38;
	[tilespmem:$0x10200] =	vst v63  }
0xd5: {  	_ =	swait.ge [sflag:s8], $0x10000  }
0xd6: {  	[sflag:s8] =	ssyncset.done $0x0  }
0xd7: {  	s7 =	sadd.s32 $0xFFFFFFFF, s7;
	[sflag:s8] =	ssyncadd.s32 $0xFFFF0000  }
0xd8: {  	_ =	sfence.sel $0x180000  }
0xd9: {  	[bflag:$0x0] =	sbarrier.arrive $0xFFFF  }
0xda: {  	_ =	strace $0x9000004A  }
0xdb: {  	s0 =	stileid.u32;
	[bflag:$0x2] =	sbarrier.arrive $0xFFFF  }
0xdc: {  	p0 =	sne.s32 s0, $0x0;
	s0 =	rddreg [dreg:$0x2]  }
0xdd: {  	s0 =	sadd.s32 @!p0 $0x100000, s0  }
0xde: {  	[sflag:s0] =	ssyncadd.tile.s32 @!p0 $0x1;
	_ =	shalt  }
.Lfunc_end2:
_tile_overlayer_lowered:
.L_overlay_start_2:
0xdf: {  	(tag) =	ssettag $0x2  }
0xe0: {  	s0 =	rddreg [dreg:$0x0];
	s2 =	stileid.u32  }
0xe1: {  	s1 =	rddreg [dreg:$0x1];
	p0 =	sne.s32 s2, $0x0  }
0xe2: {  	s3 =	rddreg [dreg:$0x2];
	[bflag:$0x3] =	sbarrier.arrive $0xFFFF;
	s2 =	simm.s32 @!p0 $0x1C02  }
0xe3: {  	[timem:s3], [sflag:s2] =	dma.local @!p0 [hbm:s0], s1  }
0xe4: {  	s0 =	simm.s32 @!p0 $0x2  }
0xe5: {  	_ =	swait.ge @!p0 [sflag:s0], s1  }
0xe6: {  	s1 =	ssub.s32 @!p0 $0x0, s1;
	[sflag:s0] =	ssyncset.done @!p0 $0x0  }
0xe7: {  	[sflag:s0] =	ssyncadd.s32 @!p0 s1  }
0xe8: {  	[bflag:$0x3] =	sbarrier.arrive $0xFFFF  }
0xe9: {  	_ =	shalt  }

// kernel: kernel.7.cloned.1.call-start
scs
__scs_entry_jumppad:
0x0: {  	(pc) =	sbr.rel $0x88, $3  }
0x1: {  	(tag) =	ssettag $0x0;
	lr =	simm.s32 $0x1  }
0x2: {  	[smem:$0x3F98] =	sst lr;
	_ =	strace $0xD0000000  }
0x3: {  	_ = 	snop  }
0x4: {  	_ = 	snop  }
0x5: {  	_ = 	snop  }
0x6: {  	_ = 	snop  }
0x7: {  	_ = 	snop  }
__scs_overlays_trampoline_lowered:
0x8: {  	[smem:$0x3FA7] =	sst s0  }
0x9: {  	[smem:$0x3FA8] =	sst s1  }
0xa: {  	[smem:$0x3FA9] =	sst s2  }
0xb: {  	[smem:$0x3FAA] =	sst s3  }
0xc: {  	[smem:$0x3FAB] =	sst s4  }
0xd: {  	[smem:$0x3FAC] =	sst s5  }
0xe: {  	[smem:$0x3FAD] =	sst s6  }
0xf: {  	[smem:$0x3FAE] =	sst s7  }
0x10: {  	[smem:$0x3FAF] =	sst s8  }
0x11: {  	[smem:$0x3FB0] =	sst s9;
	s0 =	simm.s32 @!p0 $0x0  }
0x12: {  	s1 =	sld [smem:$0x3F96];
	s0 =	simm.s32 @p0 $0x1  }
0x13: {  	[smem:$0x3FB1] =	sst s0;
	s0 =	simm.s32 @!p1 $0x0  }
0x14: {  	s2 =	sld [smem:$0x3F95];
	s0 =	simm.s32 @p1 $0x1  }
0x15: {  	[smem:$0x3FB2] =	sst s0;
	s0 =	simm.s32 @!p2 $0x0  }
0x16: {  	s3 =	sld [smem:$0x3FDB];
	s0 =	simm.s32 @p2 $0x1  }
0x17: {  	s4 =	simm.s32 $0x1BF5;
	[smem:$0x3FB4] =	sst s0  }
0x18: {  	s0 =	sld [smem:$0x3F97];
	_ =	swait.ge [sflag:s4], $0x0  }
0x19: {  	s7 =	sld [smem:$0x3F98]  }
0x1a: {  	s8 =	sadd.s32 $0xFFFFE003, lr  }
0x1b: {  	s9 =	sadd.s32 $0xFFFFFEF7, lr;
	s5 =	simm.s32 $0xFFFFFFFF;
	p2 =	slt.u32 s8, $0xFFFFF086  }
0x1c: {  	p1 =	slt.u32 s9, $0xF7A;
	s5 =	simm.s32 @!p2 $0x0  }
0x1d: {  	s5 =	simm.s32 @p1 $0x1;
	p0 =	seq.s32 s7, s2  }
0x1e: {  	s7 =	smul.u32 @!p0 $0xF7A, s2;
	p2 =	seq.s32 @!p0 s5, $0x0  }
0x1f: {  	s9 =	smul.u32 $0xF7A, s1;
	s8 =	simm.s32 @!p0 $0x1BF5;
	p2 =	por !p2, p0  }
0x20: {  	[sflag:s8] =	ssyncset.s32 @!p0 $0xFFFFF086;
	s6 =	sadd.s32 @!p0 s3, s7;
	s7 =	simm.s32 @!p0 $0x108  }
0x21: {  	s3 =	sadd.s32 s3, s9;
	s6 =	sadd.s32 @!p0 $0x88, s6;
	s7 =	simm.s32 @p2 $0x1082  }
0x22: {  	[simem:s7], [sflag:s8] =	dma.local @!p0 [hbm:s6], $0xF7A  }
0x23: {  	s9 =	sor.u32 $0xD0000000, s2;
	s6 =	simm.s32 $0x108;
	_ =	swait.ge @!p0 [sflag:s8], $0x0  }
0x24: {  	s3 =	sadd.s32 $0x88, s3;
	s6 =	simm.s32 @!p1 $0x1082;
	[sflag:s4] =	ssyncset.s32 $0xFFFFF086  }
0x25: {  	[simem:s6], [sflag:s4] =	dma.local [hbm:s3], $0xF7A  }
0x26: {  	[smem:$0x3F98] =	sst s1;
	(tag) =	ssettag s2;
	_ =	strace s9  }
0x27: {  	s1 =	sld [smem:$0x3FA8]  }
0x28: {  	s2 =	sld [smem:$0x3FA9]  }
0x29: {  	s4 =	sld [smem:$0x3FAB]  }
0x2a: {  	p0 =	seq.s32 s5, $0x0;
	s5 =	sld [smem:$0x3FAC]  }
0x2b: {  	s6 =	sld [smem:$0x3FAD]  }
0x2c: {  	s7 =	sld [smem:$0x3FAE]  }
0x2d: {  	s3 =	simm.s32 $0x108;
	s8 =	sld [smem:$0x3FAF]  }
0x2e: {  	s3 =	simm.s32 @!p0 $0x1082;
	s9 =	sld [smem:$0x3FB0]  }
0x2f: {  	lr =	sadd.s32 s0, s3;
	s0 =	sld [smem:$0x3FA7]  }
0x30: {  	s3 =	sld [smem:$0x3FAA]  }
0x31: {  	[smem:$0x3FB3] =	sst s10  }
0x32: {  	s10 =	sld [smem:$0x3FB1];
	_ =	sdelay $0x3  }
0x33: {  	p0 =	seq.s32 s10, $0x1;
	s10 =	sld [smem:$0x3FB3];
	_ =	sdelay $0x3  }
0x34: {  	[smem:$0x3FB3] =	sst s10  }
0x35: {  	s10 =	sld [smem:$0x3FB2];
	_ =	sdelay $0x3  }
0x36: {  	p1 =	seq.s32 s10, $0x1;
	s10 =	sld [smem:$0x3FB3];
	_ =	sdelay $0x3  }
0x37: {  	[smem:$0x3FB3] =	sst s10  }
0x38: {  	s10 =	sld [smem:$0x3FB4]  }
0x39: {  	_ = 	snop;
	(pc) =	sbr.ind lr, $3  }
0x3a: {  	_ = 	snop  }
0x3b: {  	_ = 	snop  }
0x3c: {  	p2 =	seq.s32 s10, $0x1;
	s10 =	sld [smem:$0x3FB3]  }
0x3d: {  	_ =	shalt  }
0x3e: {  	_ =	shalt  }
0x3f: {  	_ =	shalt  }
0x40: {  	_ =	shalt  }
0x41: {  	_ =	shalt  }
0x42: {  	_ =	shalt  }
0x43: {  	_ =	shalt  }
0x44: {  	_ =	shalt  }
0x45: {  	_ =	shalt  }
0x46: {  	_ =	shalt  }
0x47: {  	_ =	shalt  }
0x48: {  	_ =	shalt  }
0x49: {  	_ =	shalt  }
0x4a: {  	_ =	shalt  }
0x4b: {  	_ =	shalt  }
0x4c: {  	_ =	shalt  }
0x4d: {  	_ =	shalt  }
0x4e: {  	_ =	shalt  }
0x4f: {  	_ =	shalt  }
0x50: {  	_ =	shalt  }
0x51: {  	_ =	shalt  }
0x52: {  	_ =	shalt  }
0x53: {  	_ =	shalt  }
0x54: {  	_ =	shalt  }
0x55: {  	_ =	shalt  }
0x56: {  	_ =	shalt  }
0x57: {  	_ =	shalt  }
0x58: {  	_ =	shalt  }
0x59: {  	_ =	shalt  }
0x5a: {  	_ =	shalt  }
0x5b: {  	_ =	shalt  }
0x5c: {  	_ =	shalt  }
0x5d: {  	_ =	shalt  }
0x5e: {  	_ =	shalt  }
0x5f: {  	_ =	shalt  }
0x60: {  	_ =	shalt  }
0x61: {  	_ =	shalt  }
0x62: {  	_ =	shalt  }
0x63: {  	_ =	shalt  }
0x64: {  	_ =	shalt  }
0x65: {  	_ =	shalt  }
0x66: {  	_ =	shalt  }
0x67: {  	_ =	shalt  }
0x68: {  	_ =	shalt  }
0x69: {  	_ =	shalt  }
0x6a: {  	_ =	shalt  }
0x6b: {  	_ =	shalt  }
0x6c: {  	_ =	shalt  }
0x6d: {  	_ =	shalt  }
0x6e: {  	_ =	shalt  }
0x6f: {  	_ =	shalt  }
0x70: {  	_ =	shalt  }
0x71: {  	_ =	shalt  }
0x72: {  	_ =	shalt  }
0x73: {  	_ =	shalt  }
0x74: {  	_ =	shalt  }
0x75: {  	_ =	shalt  }
0x76: {  	_ =	shalt  }
0x77: {  	_ =	shalt  }
0x78: {  	_ =	shalt  }
0x79: {  	_ =	shalt  }
0x7a: {  	_ =	shalt  }
0x7b: {  	_ =	shalt  }
0x7c: {  	_ =	shalt  }
0x7d: {  	_ =	shalt  }
0x7e: {  	_ =	shalt  }
0x7f: {  	_ =	shalt  }
0x80: {  	_ =	shalt  }
0x81: {  	_ =	shalt  }
0x82: {  	_ =	shalt  }
0x83: {  	_ =	shalt  }
0x84: {  	_ =	shalt  }
0x85: {  	_ =	shalt  }
0x86: {  	_ =	shalt  }
0x87: {  	_ =	shalt  }
.Lfunc_end0:
.L_simem_size_0:
called_computation_lowered:
.L_overlay_start_0:
0x88: {  	s2 =	sld [smem:$0x3FD9]  }
0x89: {  	s3 =	sld [smem:$0x3FFE];
	_ =	sdelay $0x1  }
0x8a: {  	s1 =	srdreg.scid  }
0x8b: {  	s0 =	sand.u32 $0x1, s1  }
0x8c: {  	s17 =	sshll.u32 s0, $0xA;
	s2 =	sadd.s32 s3, s2  }
0x8d: {  	s2 =	sadd.s32 s2, s17  }
0x8e: {  	[smem:$0x3FBF] =	sst s2  }
0x8f: {  	_ = 	snop  }
0x90: {  	s2 =	sld [smem:$0x3FC9]  }
0x91: {  	s18 =	sld [smem:$0x3FD0];
	(tm) =	ssettm $0x1  }
0x92: {  	s4 =	sld [smem:$0x3FFB];
	_ =	sdelay $0x3  }
0x93: {  	_ =	strace s4  }
0x94: {  	s4 =	sld [smem:$0x3FFC];
	_ =	sdelay $0x3  }
0x95: {  	_ =	strace s4  }
0x96: {  	s4 =	sld [smem:$0x3FFD];
	_ =	sdelay $0x3  }
0x97: {  	_ =	strace s4  }
0x98: {  	_ =	strace $0x8FFFFFFF  }
0x99: {  	s19 =	sld [smem:$0x3FDB];
	_ =	sdelay $0x1  }
0x9a: {  	s5 =	simm.s32 $_scs_section_size  }
0x9b: {  	s6 =	simm.s32 $_size__tile_overlayer_lowered;
	s7 =	simm.s32 $_tile_overlayer_lowered  }
0x9c: {  	s22 =	simm.s32 $0x1BFF;
	s21 =	sshll.u32 s7, $0x1;
	s4 =	sadd.s32 s5, s19  }
0x9d: {  	s8 =	simm.s32 $0x0;
	s20 =	sshll.u32 s6, $0x1;
	s6 =	sadd.s32 s21, s4  }
0x9e: {  	[timem:s8], [sflag:s22] =	dma.local [hbm:s6], s20  }
0x9f: {  	_ =	swait.ge [sflag:s22], s20  }
0xa0: {  	s5 =	ssub.s32 $0x0, s20;
	[sflag:s22] =	ssyncset.done $0x0  }
0xa1: {  	[sflag:s22] =	ssyncadd.s32 s5;
	_ =	sdelay $0x1  }
0xa2: {  	s23 =	simm.s32 $0x1B8B  }
0xa3: {  	_ =	swait.ge [sflag:s23], $0x1  }
0xa4: {  	[sflag:s23] =	ssyncset.done $0x0  }
0xa5: {  	s25 =	simm.s32 $0x1B8E;
	s24 =	sld [smem:$0x3FFE];
	[sflag:s23] =	ssyncadd.s32 $0xFFFFFFFF  }
0xa6: {  	s26 =	simm.s32 $execute0_lowered;
	[smem:$0x3FD2] =	sst s25  }
0xa7: {  	s6 =	sshll.u32 s26, $0x1;
	_ =	strace $0x80000046;
	[dreg:$0x1] =	wrdreg $0xFFFFFFFF  }
0xa8: {  	s28 =	simm.s32 $_size_execute0_lowered;
	s4 =	sadd.s32 s4, s6;
	[dreg:$0x0] =	wrdreg $0x0  }
0xa9: {  	s6 =	sshll.u32 s28, $0x1;
	[dreg:$0x2] =	wrdreg s4  }
0xaa: {  	[dreg:$0x3] =	wrdreg s6  }
0xab: {  	[dreg:$0x4] =	wrdreg $0xC0  }
0xac: {  	_ =	task [dreg:s8], $0x5FFFF  }
0xad: {  	[dreg:$0x1] =	wrdreg $0xFFFFFFFF  }
0xae: {  	[dreg:$0x0] =	wrdreg $0x60  }
0xaf: {  	[dreg:$0x2] =	wrdreg s2  }
0xb0: {  	[dreg:$0x3] =	wrdreg s18  }
0xb1: {  	[dreg:$0x4] =	wrdreg s24  }
0xb2: {  	[dreg:$0x5] =	wrdreg $0x9  }
0xb3: {  	_ =	task.clear_ibuf [dreg:s8], $0x6FFFF;
	_ =	strace $0x90000046  }
0xb4: {  	s29 =	simm.s32 $0x9;
	_ =	strace $0x80000048  }
0xb5: {  	_ =	swait.ge [sflag:s29], $0x1  }
0xb6: {  	[sflag:s29] =	ssyncadd.s32 $0xFFFFFFFF  }
0xb7: {  	_ =	strace $0x90000048  }
0xb8: {  	_ =	sfence  }
0xb9: {  	s30 =	sld [smem:$0x0];
	_ =	sdelay $0x2  }
0xba: {  	s31 =	sshll.u32 s1, $0xD;
	s1 =	sshrl.u32 s1, $0x2  }
0xbb: {  	s3 =	sand.u32 $0x4000, s31;
	s1 =	sadd.s32 s1, s30  }
0xbc: {  	s0 =	sor.u32 s3, s0;
	s1 =	sshll.u32 s1, $0x11  }
0xbd: {  	s0 =	sor.u32 s1, s0  }
0xbe: {  	s0 =	sadd.s32 $0x8F2B, s0  }
0xbf: {  	[sflag:s0] =	ssyncadd.remote.s32 $0x1  }
0xc0: {  	_ =	sfence.sel $0xFFFF  }
0xc1: {  	[dreg:$0x0] =	wrdreg $0xFFFFFFFF;
	(pc) =	sbr.abs _section_cstart, $3  }
0xc2: {  	[dreg:$0x1] =	wrdreg $0xFFFFFFFF  }
0xc3: {  	_ =	task.clear_ibuf [dreg:s8], $0x2FFFF;
	_ =	strace $0x9FFFFFFF  }
0xc4: {  	(tm) =	ssettm $0x7FFFFFFF  }
0xc5: {  	_ =	shalt  }
tec
execute0_lowered:
.L_overlay_start_1:
0x0: {  	(tag) =	ssettag $0x1  }
0x1: {  	s4 =	srdreg.scid;
	s5 =	stileid.u32  }
0x2: {  	s4 =	sand.u32 $0x1, s4;
	s5 =	sshll.u32 s5, $0x1  }
0x3: {  	s5 =	sor.u32 s4, s5  }
0x4: {  	s1 =	rddreg [dreg:$0x0];
	s12 =	sshll.u32 s5, $0x7  }
0x5: {  	s0 =	rddreg [dreg:$0x1];
	v6 =	vlaneseq.u32;
	vm0 =	vmmov $0xffff;
	s29 =	sor.u32 $0x10, s12;
	s13 =	sor.u32 $0x20, s12  }
0x6: {  	s14 =	sor.u32 $0x30, s12;
	s15 =	sor.u32 $0x40, s12;
	s16 =	sor.u32 $0x50, s12;
	v4 =	vor.u32 s12, v6;
	v1 =	vor.u32 s29, v6;
	v2 =	vor.u32 s13, v6  }
0x7: {  	s2 =	rddreg [dreg:$0x2];
	s17 =	sor.u32 $0x60, s12;
	s18 =	sor.u32 $0x70, s12;
	v3 =	vor.u32 s14, v6;
	v5 =	vor.u32 s15, v6;
	v8 =	vor.u32 s16, v6  }
0x8: {  	s3 =	simm.s32 $0x0;
	s24 =	simm.s32 $0x1;
	s28 =	simm.s32 $0xA00;
	v9 =	vor.u32 s17, v6;
	v0 =	vand.u32 $0x78F, v4;
	v10 =	vor.u32 s18, v6  }
0x9: {  	s30 =	simm.s32 $0x2200;
	s31 =	simm.s32 $0x2A00;
	[smem:$0x7FF] =	sst s3;
	v7 =	vshll.u32 v4, $0x3;
	v1 =	vand.u32 $0x79F, v1;
	v2 =	vand.u32 $0x7AF, v2  }
0xa: {  	s9 =	sadd.s32 $0x2800, s2;
	s10 =	sadd.s32 $0x2900, s2;
	_ =	strace $0x80000047;
	v4 =	vand.u32 $0x7CF, v5;
	v7 =	vand.u32 $0x3C40, v7;
	v5 =	vand.u32 $0x7, v6  }
0xb: {  	s6 =	ssub.s32 $0x2, s4;
	s4 =	sadd.s32 $0x2600, s2;
	s7 =	sshll.u32 s5, $0x5;
	v11 =	vor.u32 v5, v7;
	v7 =	vshrl.u32 v6, $0x3;
	v6 =	vor.u32 $0x8, v6  }
0xc: {  	s8 =	sshrl.u32 s6, $0x1;
	s5 =	sadd.s32 $0x100, s1;
	s0 =	sadd.s32 s0, s7;
	v12 =	vperm.xlane v11, v5;
	v7 =	vmul.u32 $0x8, v7;
	v13 =	vperm.xlane v11, v6  }
0xd: {  	s11 =	ssub.s32 s6, s8;
	s6 =	sadd.s32 $0x200, s1;
	s7 =	sadd.s32 $0x300, s1;
	v3 =	vand.u32 $0x7BF, v3;
	v8 =	vand.u32 $0x7DF, v8;
	v9 =	vand.u32 $0x7EF, v9  }
0xe: {  	s8 =	sadd.s32 $0x2700, s2;
	[dreg:$0x4] =	wrdreg s0;
	s11 =	smax.u32 s11, $0x1;
	v10 =	vand.u32 $0x7FF, v10;
	v11 =	vadd.s32 v7, v12;
	v12 =	vadd.s32 v7, v13  }
.LBB2_1:
0xf: {  	s25 =	rddreg [dreg:$0x4];
	s14 =	simm.s32 $0x2  }
0x10: {  	[tilespmem:s3], [sflag:$0x2] =	stream.linear.gather [hbm4b:s25+s3], $0x100, $0x38;
	[tilespmem:$0x10200] =	vst v63  }
0x11: {  	_ =	swait.ge [sflag:s14], $0x100  }
0x12: {  	[sflag:s14] =	ssyncset.done $0x0  }
0x13: {  	[sflag:s14] =	ssyncadd.s32 $0xFFFFFF00  }
0x14: {  	[tilespmem:$0x100] =	vst v0  }
0x15: {  	[tilespmem:$0x110] =	vst v1  }
0x16: {  	[tilespmem:$0x120] =	vst v2  }
0x17: {  	[tilespmem:$0x130] =	vst v3  }
0x18: {  	[tilespmem:$0x180] =	vst v4  }
0x19: {  	[tilespmem:$0x190] =	vst v8  }
0x1a: {  	[tilespmem:$0x1A0] =	vst v9  }
0x1b: {  	s26 =	simm.s32 $0x200;
	[tilespmem:$0x1B0] =	vst v10  }
0x1c: {  	[tilespmem:s26], [sflag:$0x1] =	stream.indirect_vreg.gather [hbm4b:s1+s3], $0x80, v11, vm0, $0xb8;
	[tilespmem:$0x10200] =	vst v63  }
0x1d: {  	_ = 	snop  }
0x1e: {  	[tilespmem:s28], [sflag:$0x1] =	stream.indirect_vreg.gather [hbm4b:s5+s3], $0x80, v11, vm0, $0xb8;
	[tilespmem:$0x10200] =	vst v63  }
0x1f: {  	s0 =	simm.s32 $0x1200  }
0x20: {  	[tilespmem:s0], [sflag:$0x1] =	stream.indirect_vreg.gather [hbm4b:s6+s3], $0x80, v11, vm0, $0xb8;
	[tilespmem:$0x10200] =	vst v63  }
0x21: {  	s15 =	simm.s32 $0x1A00  }
0x22: {  	[tilespmem:s15], [sflag:$0x1] =	stream.indirect_vreg.gather [hbm4b:s7+s3], $0x80, v11, vm0, $0xb8;
	[tilespmem:$0x10200] =	vst v63  }
0x23: {  	_ = 	snop  }
0x24: {  	[tilespmem:s30], [sflag:$0x1] =	stream.indirect_vreg.gather [hbm4b:s1+s3], $0x80, v12, vm0, $0xb8;
	[tilespmem:$0x10200] =	vst v63  }
0x25: {  	_ = 	snop  }
0x26: {  	[tilespmem:s31], [sflag:$0x1] =	stream.indirect_vreg.gather [hbm4b:s5+s3], $0x80, v12, vm0, $0xb8;
	[tilespmem:$0x10200] =	vst v63  }
0x27: {  	s16 =	simm.s32 $0x3200  }
0x28: {  	[tilespmem:s16], [sflag:$0x1] =	stream.indirect_vreg.gather [hbm4b:s6+s3], $0x80, v12, vm0, $0xb8;
	[tilespmem:$0x10200] =	vst v63  }
0x29: {  	s17 =	simm.s32 $0x3A00  }
0x2a: {  	[tilespmem:s17], [sflag:$0x1] =	stream.indirect_vreg.gather [hbm4b:s7+s3], $0x80, v12, vm0, $0xb8;
	[tilespmem:$0x10200] =	vst v63  }
0x2b: {  	v13 =	vld [tilespmem:$0x110];
	_ =	sdelay $0x4  }
0x2c: {  	v14 =	vshll.u32 v13, $0x3  }
0x2d: {  	v13 =	vand.u32 $0x7, v13;
	v14 =	vand.u32 $0xFFFFFFC0, v14  }
0x2e: {  	v13 =	vor.u32 v13, v14  }
0x2f: {  	v14 =	vperm.xlane v13, v5;
	_ =	sdelay $0x1  }
0x30: {  	v14 =	vadd.s32 v7, v14;
	_ =	sdelay $0x3  }
0x31: {  	s18 =	simm.s32 $0x4200  }
0x32: {  	[tilespmem:s18], [sflag:$0x1] =	stream.indirect_vreg.gather [hbm4b:s1+s3], $0x80, v14, vm0, $0xb8;
	[tilespmem:$0x10200] =	vst v63  }
0x33: {  	s21 =	simm.s32 $0x4A00;
	v13 =	vperm.xlane v13, v6  }
0x34: {  	[tilespmem:s21], [sflag:$0x1] =	stream.indirect_vreg.gather [hbm4b:s5+s3], $0x80, v14, vm0, $0xb8;
	[tilespmem:$0x10200] =	vst v63  }
0x35: {  	s22 =	simm.s32 $0x5200;
	v13 =	vadd.s32 v7, v13  }
0x36: {  	[tilespmem:s22], [sflag:$0x1] =	stream.indirect_vreg.gather [hbm4b:s6+s3], $0x80, v14, vm0, $0xb8;
	[tilespmem:$0x10200] =	vst v63  }
0x37: {  	s23 =	simm.s32 $0x5A00  }
0x38: {  	[tilespmem:s23], [sflag:$0x1] =	stream.indirect_vreg.gather [hbm4b:s7+s3], $0x80, v14, vm0, $0xb8;
	[tilespmem:$0x10200] =	vst v63  }
0x39: {  	s25 =	simm.s32 $0x6200  }
0x3a: {  	[tilespmem:s25], [sflag:$0x1] =	stream.indirect_vreg.gather [hbm4b:s1+s3], $0x80, v13, vm0, $0xb8;
	[tilespmem:$0x10200] =	vst v63  }
0x3b: {  	s29 =	simm.s32 $0x6A00  }
0x3c: {  	[tilespmem:s29], [sflag:$0x1] =	stream.indirect_vreg.gather [hbm4b:s5+s3], $0x80, v13, vm0, $0xb8;
	[tilespmem:$0x10200] =	vst v63  }
0x3d: {  	s12 =	simm.s32 $0x7200  }
0x3e: {  	[tilespmem:s12], [sflag:$0x1] =	stream.indirect_vreg.gather [hbm4b:s6+s3], $0x80, v13, vm0, $0xb8;
	[tilespmem:$0x10200] =	vst v63  }
0x3f: {  	s14 =	simm.s32 $0x7A00  }
0x40: {  	[tilespmem:s14], [sflag:$0x1] =	stream.indirect_vreg.gather [hbm4b:s7+s3], $0x80, v13, vm0, $0xb8;
	[tilespmem:$0x10200] =	vst v63  }
0x41: {  	v13 =	vld [tilespmem:$0x120];
	_ =	sdelay $0x4  }
0x42: {  	v14 =	vshll.u32 v13, $0x3  }
0x43: {  	v13 =	vand.u32 $0x7, v13;
	v14 =	vand.u32 $0xFFFFFFC0, v14  }
0x44: {  	v13 =	vor.u32 v13, v14  }
0x45: {  	v14 =	vperm.xlane v13, v5;
	_ =	sdelay $0x1  }
0x46: {  	v14 =	vadd.s32 v7, v14;
	_ =	sdelay $0x3  }
0x47: {  	s15 =	simm.s32 $0x8200  }
0x48: {  	[tilespmem:s15], [sflag:$0x1] =	stream.indirect_vreg.gather [hbm4b:s1+s3], $0x80, v14, vm0, $0xb8;
	[tilespmem:$0x10200] =	vst v63  }
0x49: {  	s21 =	simm.s32 $0x8A00;
	v13 =	vperm.xlane v13, v6  }
0x4a: {  	[tilespmem:s21], [sflag:$0x1] =	stream.indirect_vreg.gather [hbm4b:s5+s3], $0x80, v14, vm0, $0xb8;
	[tilespmem:$0x10200] =	vst v63  }
0x4b: {  	s22 =	simm.s32 $0x9200;
	v13 =	vadd.s32 v7, v13  }
0x4c: {  	[tilespmem:s22], [sflag:$0x1] =	stream.indirect_vreg.gather [hbm4b:s6+s3], $0x80, v14, vm0, $0xb8;
	[tilespmem:$0x10200] =	vst v63  }
0x4d: {  	s29 =	simm.s32 $0x9A00  }
0x4e: {  	[tilespmem:s29], [sflag:$0x1] =	stream.indirect_vreg.gather [hbm4b:s7+s3], $0x80, v14, vm0, $0xb8;
	[tilespmem:$0x10200] =	vst v63  }
0x4f: {  	s12 =	simm.s32 $0xA200  }
0x50: {  	[tilespmem:s12], [sflag:$0x1] =	stream.indirect_vreg.gather [hbm4b:s1+s3], $0x80, v13, vm0, $0xb8;
	[tilespmem:$0x10200] =	vst v63  }
0x51: {  	s14 =	simm.s32 $0xAA00  }
0x52: {  	[tilespmem:s14], [sflag:$0x1] =	stream.indirect_vreg.gather [hbm4b:s5+s3], $0x80, v13, vm0, $0xb8;
	[tilespmem:$0x10200] =	vst v63  }
0x53: {  	s15 =	simm.s32 $0xB200  }
0x54: {  	[tilespmem:s15], [sflag:$0x1] =	stream.indirect_vreg.gather [hbm4b:s6+s3], $0x80, v13, vm0, $0xb8;
	[tilespmem:$0x10200] =	vst v63  }
0x55: {  	s21 =	simm.s32 $0xBA00  }
0x56: {  	[tilespmem:s21], [sflag:$0x1] =	stream.indirect_vreg.gather [hbm4b:s7+s3], $0x80, v13, vm0, $0xb8;
	[tilespmem:$0x10200] =	vst v63  }
0x57: {  	v13 =	vld [tilespmem:$0x130];
	_ =	sdelay $0x4  }
0x58: {  	v14 =	vshll.u32 v13, $0x3  }
0x59: {  	v13 =	vand.u32 $0x7, v13;
	v14 =	vand.u32 $0xFFFFFFC0, v14  }
0x5a: {  	v13 =	vor.u32 v13, v14  }
0x5b: {  	v14 =	vperm.xlane v13, v5;
	_ =	sdelay $0x1  }
0x5c: {  	v14 =	vadd.s32 v7, v14;
	_ =	sdelay $0x3  }
0x5d: {  	s22 =	simm.s32 $0xC200  }
0x5e: {  	[tilespmem:s22], [sflag:$0x1] =	stream.indirect_vreg.gather [hbm4b:s1+s3], $0x80, v14, vm0, $0xb8;
	[tilespmem:$0x10200] =	vst v63  }
0x5f: {  	s29 =	simm.s32 $0xCA00;
	v13 =	vperm.xlane v13, v6  }
0x60: {  	[tilespmem:s29], [sflag:$0x1] =	stream.indirect_vreg.gather [hbm4b:s5+s3], $0x80, v14, vm0, $0xb8;
	[tilespmem:$0x10200] =	vst v63  }
0x61: {  	s14 =	simm.s32 $0xD200;
	v13 =	vadd.s32 v7, v13  }
0x62: {  	[tilespmem:s14], [sflag:$0x1] =	stream.indirect_vreg.gather [hbm4b:s6+s3], $0x80, v14, vm0, $0xb8;
	[tilespmem:$0x10200] =	vst v63  }
0x63: {  	s15 =	simm.s32 $0xDA00  }
0x64: {  	[tilespmem:s15], [sflag:$0x1] =	stream.indirect_vreg.gather [hbm4b:s7+s3], $0x80, v14, vm0, $0xb8;
	[tilespmem:$0x10200] =	vst v63  }
0x65: {  	s21 =	simm.s32 $0xE200  }
0x66: {  	[tilespmem:s21], [sflag:$0x1] =	stream.indirect_vreg.gather [hbm4b:s1+s3], $0x80, v13, vm0, $0xb8;
	[tilespmem:$0x10200] =	vst v63  }
0x67: {  	s22 =	simm.s32 $0xEA00  }
0x68: {  	[tilespmem:s22], [sflag:$0x1] =	stream.indirect_vreg.gather [hbm4b:s5+s3], $0x80, v13, vm0, $0xb8;
	[tilespmem:$0x10200] =	vst v63  }
0x69: {  	s29 =	simm.s32 $0xF200  }
0x6a: {  	[tilespmem:s29], [sflag:$0x1] =	stream.indirect_vreg.gather [hbm4b:s6+s3], $0x80, v13, vm0, $0xb8;
	[tilespmem:$0x10200] =	vst v63  }
0x6b: {  	s21 =	simm.s32 $0xFA00  }
0x6c: {  	[tilespmem:s21], [sflag:$0x1] =	stream.indirect_vreg.gather [hbm4b:s7+s3], $0x80, v13, vm0, $0xb8;
	[tilespmem:$0x10200] =	vst v63  }
0x6d: {  	_ =	swait.ge [sflag:s24], $0x10000  }
0x6e: {  	[sflag:s24] =	ssyncset.done $0x0  }
0x6f: {  	[sflag:s24] =	ssyncadd.s32 $0xFFFF0000  }
0x70: {  	v13 =	vld [tilespmem:$0x0];
	_ =	sdelay $0x4  }
0x71: {  	v14 =	vshll.u32 v13, $0x3  }
0x72: {  	v13 =	vand.u32 $0x7, v13;
	v14 =	vand.u32 $0xFFFFFFC0, v14  }
0x73: {  	v13 =	vor.u32 v13, v14  }
0x74: {  	v14 =	vperm.xlane v13, v5;
	_ =	sdelay $0x1  }
0x75: {  	v14 =	vadd.s32 v7, v14;
	_ =	sdelay $0x4  }
0x76: {  	[hbm4b:s4+s3] =	stream.indirect_vreg.scatter [tilespmem:s26], [sflag:$0x1], $0x80, v14, vm0, $0xb8;
	[tilespmem:$0x10200] =	vst v63  }
0x77: {  	v13 =	vperm.xlane v13, v6  }
0x78: {  	[hbm4b:s8+s3] =	stream.indirect_vreg.scatter [tilespmem:s28], [sflag:$0x1], $0x80, v14, vm0, $0xb8;
	[tilespmem:$0x10200] =	vst v63  }
0x79: {  	s2 =	simm.s32 $0x1200;
	v13 =	vadd.s32 v7, v13  }
0x7a: {  	[hbm4b:s9+s3] =	stream.indirect_vreg.scatter [tilespmem:s2], [sflag:$0x1], $0x80, v14, vm0, $0xb8;
	[tilespmem:$0x10200] =	vst v63  }
0x7b: {  	s20 =	simm.s32 $0x1A00  }
0x7c: {  	[hbm4b:s10+s3] =	stream.indirect_vreg.scatter [tilespmem:s20], [sflag:$0x1], $0x80, v14, vm0, $0xb8;
	[tilespmem:$0x10200] =	vst v63  }
0x7d: {  	_ = 	snop  }
0x7e: {  	[hbm4b:s4+s3] =	stream.indirect_vreg.scatter [tilespmem:s30], [sflag:$0x1], $0x80, v13, vm0, $0xb8;
	[tilespmem:$0x10200] =	vst v63  }
0x7f: {  	_ = 	snop  }
0x80: {  	[hbm4b:s8+s3] =	stream.indirect_vreg.scatter [tilespmem:s31], [sflag:$0x1], $0x80, v13, vm0, $0xb8;
	[tilespmem:$0x10200] =	vst v63  }
0x81: {  	s22 =	simm.s32 $0x3200  }
0x82: {  	[hbm4b:s9+s3] =	stream.indirect_vreg.scatter [tilespmem:s22], [sflag:$0x1], $0x80, v13, vm0, $0xb8;
	[tilespmem:$0x10200] =	vst v63  }
0x83: {  	s19 =	simm.s32 $0x3A00  }
0x84: {  	[hbm4b:s10+s3] =	stream.indirect_vreg.scatter [tilespmem:s19], [sflag:$0x1], $0x80, v13, vm0, $0xb8;
	[tilespmem:$0x10200] =	vst v63  }
0x85: {  	v13 =	vld [tilespmem:$0x10];
	_ =	sdelay $0x4  }
0x86: {  	v14 =	vshll.u32 v13, $0x3  }
0x87: {  	v13 =	vand.u32 $0x7, v13;
	v14 =	vand.u32 $0xFFFFFFC0, v14  }
0x88: {  	v13 =	vor.u32 v13, v14  }
0x89: {  	v14 =	vperm.xlane v13, v5;
	_ =	sdelay $0x1  }
0x8a: {  	v14 =	vadd.s32 v7, v14;
	_ =	sdelay $0x3  }
0x8b: {  	s20 =	simm.s32 $0x4200  }
0x8c: {  	[hbm4b:s4+s3] =	stream.indirect_vreg.scatter [tilespmem:s20], [sflag:$0x1], $0x80, v14, vm0, $0xb8;
	[tilespmem:$0x10200] =	vst v63  }
0x8d: {  	s21 =	simm.s32 $0x4A00;
	v13 =	vperm.xlane v13, v6  }
0x8e: {  	[hbm4b:s8+s3] =	stream.indirect_vreg.scatter [tilespmem:s21], [sflag:$0x1], $0x80, v14, vm0, $0xb8;
	[tilespmem:$0x10200] =	vst v63  }
0x8f: {  	s13 =	simm.s32 $0x5200;
	v13 =	vadd.s32 v7, v13  }
0x90: {  	[hbm4b:s9+s3] =	stream.indirect_vreg.scatter [tilespmem:s13], [sflag:$0x1], $0x80, v14, vm0, $0xb8;
	[tilespmem:$0x10200] =	vst v63  }
0x91: {  	s0 =	simm.s32 $0x5A00  }
0x92: {  	[hbm4b:s10+s3] =	stream.indirect_vreg.scatter [tilespmem:s0], [sflag:$0x1], $0x80, v14, vm0, $0xb8;
	[tilespmem:$0x10200] =	vst v63  }
0x93: {  	s16 =	simm.s32 $0x6200  }
0x94: {  	[hbm4b:s4+s3] =	stream.indirect_vreg.scatter [tilespmem:s16], [sflag:$0x1], $0x80, v13, vm0, $0xb8;
	[tilespmem:$0x10200] =	vst v63  }
0x95: {  	s17 =	simm.s32 $0x6A00  }
0x96: {  	[hbm4b:s8+s3] =	stream.indirect_vreg.scatter [tilespmem:s17], [sflag:$0x1], $0x80, v13, vm0, $0xb8;
	[tilespmem:$0x10200] =	vst v63  }
0x97: {  	s18 =	simm.s32 $0x7200  }
0x98: {  	[hbm4b:s9+s3] =	stream.indirect_vreg.scatter [tilespmem:s18], [sflag:$0x1], $0x80, v13, vm0, $0xb8;
	[tilespmem:$0x10200] =	vst v63  }
0x99: {  	s2 =	simm.s32 $0x7A00  }
0x9a: {  	[hbm4b:s10+s3] =	stream.indirect_vreg.scatter [tilespmem:s2], [sflag:$0x1], $0x80, v13, vm0, $0xb8;
	[tilespmem:$0x10200] =	vst v63  }
0x9b: {  	v13 =	vld [tilespmem:$0x20];
	_ =	sdelay $0x4  }
0x9c: {  	v14 =	vshll.u32 v13, $0x3  }
0x9d: {  	v13 =	vand.u32 $0x7, v13;
	v14 =	vand.u32 $0xFFFFFFC0, v14  }
0x9e: {  	v13 =	vor.u32 v13, v14  }
0x9f: {  	v14 =	vperm.xlane v13, v5;
	_ =	sdelay $0x1  }
0xa0: {  	v14 =	vadd.s32 v7, v14;
	_ =	sdelay $0x3  }
0xa1: {  	s23 =	simm.s32 $0x8200  }
0xa2: {  	[hbm4b:s4+s3] =	stream.indirect_vreg.scatter [tilespmem:s23], [sflag:$0x1], $0x80, v14, vm0, $0xb8;
	[tilespmem:$0x10200] =	vst v63  }
0xa3: {  	s25 =	simm.s32 $0x8A00;
	v13 =	vperm.xlane v13, v6  }
0xa4: {  	[hbm4b:s8+s3] =	stream.indirect_vreg.scatter [tilespmem:s25], [sflag:$0x1], $0x80, v14, vm0, $0xb8;
	[tilespmem:$0x10200] =	vst v63  }
0xa5: {  	v13 =	vadd.s32 v7, v13;
	s23 =	simm.s32 $0x9200  }
0xa6: {  	[hbm4b:s9+s3] =	stream.indirect_vreg.scatter [tilespmem:s23], [sflag:$0x1], $0x80, v14, vm0, $0xb8;
	[tilespmem:$0x10200] =	vst v63  }
0xa7: {  	s25 =	simm.s32 $0x9A00  }
0xa8: {  	[hbm4b:s10+s3] =	stream.indirect_vreg.scatter [tilespmem:s25], [sflag:$0x1], $0x80, v14, vm0, $0xb8;
	[tilespmem:$0x10200] =	vst v63  }
0xa9: {  	s16 =	simm.s32 $0xA200  }
0xaa: {  	[hbm4b:s4+s3] =	stream.indirect_vreg.scatter [tilespmem:s16], [sflag:$0x1], $0x80, v13, vm0, $0xb8;
	[tilespmem:$0x10200] =	vst v63  }
0xab: {  	s12 =	simm.s32 $0xAA00  }
0xac: {  	[hbm4b:s8+s3] =	stream.indirect_vreg.scatter [tilespmem:s12], [sflag:$0x1], $0x80, v13, vm0, $0xb8;
	[tilespmem:$0x10200] =	vst v63  }
0xad: {  	s12 =	simm.s32 $0xB200  }
0xae: {  	[hbm4b:s9+s3] =	stream.indirect_vreg.scatter [tilespmem:s12], [sflag:$0x1], $0x80, v13, vm0, $0xb8;
	[tilespmem:$0x10200] =	vst v63  }
0xaf: {  	s18 =	simm.s32 $0xBA00  }
0xb0: {  	[hbm4b:s10+s3] =	stream.indirect_vreg.scatter [tilespmem:s18], [sflag:$0x1], $0x80, v13, vm0, $0xb8;
	[tilespmem:$0x10200] =	vst v63  }
0xb1: {  	v13 =	vld [tilespmem:$0x30];
	_ =	sdelay $0x4  }
0xb2: {  	v14 =	vshll.u32 v13, $0x3  }
0xb3: {  	v13 =	vand.u32 $0x7, v13;
	v14 =	vand.u32 $0xFFFFFFC0, v14  }
0xb4: {  	v13 =	vor.u32 v13, v14  }
0xb5: {  	v14 =	vperm.xlane v13, v5;
	_ =	sdelay $0x1  }
0xb6: {  	v14 =	vadd.s32 v7, v14;
	_ =	sdelay $0x3  }
0xb7: {  	s17 =	simm.s32 $0xC200  }
0xb8: {  	[hbm4b:s4+s3] =	stream.indirect_vreg.scatter [tilespmem:s17], [sflag:$0x1], $0x80, v14, vm0, $0xb8;
	[tilespmem:$0x10200] =	vst v63  }
0xb9: {  	s19 =	simm.s32 $0xCA00;
	v13 =	vperm.xlane v13, v6  }
0xba: {  	[hbm4b:s8+s3] =	stream.indirect_vreg.scatter [tilespmem:s19], [sflag:$0x1], $0x80, v14, vm0, $0xb8;
	[tilespmem:$0x10200] =	vst v63  }
0xbb: {  	s13 =	simm.s32 $0xD200;
	v13 =	vadd.s32 v7, v13  }
0xbc: {  	[hbm4b:s9+s3] =	stream.indirect_vreg.scatter [tilespmem:s13], [sflag:$0x1], $0x80, v14, vm0, $0xb8;
	[tilespmem:$0x10200] =	vst v63  }
0xbd: {  	s14 =	simm.s32 $0xDA00  }
0xbe: {  	[hbm4b:s10+s3] =	stream.indirect_vreg.scatter [tilespmem:s14], [sflag:$0x1], $0x80, v14, vm0, $0xb8;
	[tilespmem:$0x10200] =	vst v63  }
0xbf: {  	s14 =	simm.s32 $0xE200  }
0xc0: {  	[hbm4b:s4+s3] =	stream.indirect_vreg.scatter [tilespmem:s14], [sflag:$0x1], $0x80, v13, vm0, $0xb8;
	[tilespmem:$0x10200] =	vst v63  }
0xc1: {  	s15 =	simm.s32 $0xEA00  }
0xc2: {  	[hbm4b:s8+s3] =	stream.indirect_vreg.scatter [tilespmem:s15], [sflag:$0x1], $0x80, v13, vm0, $0xb8;
	[tilespmem:$0x10200] =	vst v63  }
0xc3: {  	s15 =	simm.s32 $0xF200  }
0xc4: {  	[hbm4b:s9+s3] =	stream.indirect_vreg.scatter [tilespmem:s15], [sflag:$0x1], $0x80, v13, vm0, $0xb8;
	[tilespmem:$0x10200] =	vst v63  }
0xc5: {  	s29 =	simm.s32 $0xFA00  }
0xc6: {  	[hbm4b:s10+s3] =	stream.indirect_vreg.scatter [tilespmem:s29], [sflag:$0x1], $0x80, v13, vm0, $0xb8;
	[tilespmem:$0x10200] =	vst v63  }
0xc7: {  	_ =	swait.ge [sflag:s24], $0x10000  }
0xc8: {  	[sflag:s24] =	ssyncset.done $0x0  }
0xc9: {  	[sflag:s24] =	ssyncadd.s32 $0xFFFF0000  }
0xca: {  	v13 =	vld [tilespmem:$0x180];
	_ =	sdelay $0x4  }
0xcb: {  	v14 =	vshll.u32 v13, $0x3  }
0xcc: {  	v13 =	vand.u32 $0x7, v13;
	v14 =	vand.u32 $0xFFFFFFC0, v14  }
0xcd: {  	v13 =	vor.u32 v13, v14  }
0xce: {  	v14 =	vperm.xlane v13, v5;
	_ =	sdelay $0x1  }
0xcf: {  	v14 =	vadd.s32 v7, v14;
	_ =	sdelay $0x4  }
0xd0: {  	[tilespmem:s26], [sflag:$0x1] =	stream.indirect_vreg.gather [hbm4b:s1+s3], $0x80, v14, vm0, $0xb8;
	[tilespmem:$0x10200] =	vst v63  }
0xd1: {  	v13 =	vperm.xlane v13, v6  }
0xd2: {  	[tilespmem:s28], [sflag:$0x1] =	stream.indirect_vreg.gather [hbm4b:s5+s3], $0x80, v14, vm0, $0xb8;
	[tilespmem:$0x10200] =	vst v63  }
0xd3: {  	s29 =	simm.s32 $0x1200;
	v13 =	vadd.s32 v7, v13  }
0xd4: {  	[tilespmem:s29], [sflag:$0x1] =	stream.indirect_vreg.gather [hbm4b:s6+s3], $0x80, v14, vm0, $0xb8;
	[tilespmem:$0x10200] =	vst v63  }
0xd5: {  	s29 =	simm.s32 $0x1A00  }
0xd6: {  	[tilespmem:s29], [sflag:$0x1] =	stream.indirect_vreg.gather [hbm4b:s7+s3], $0x80, v14, vm0, $0xb8;
	[tilespmem:$0x10200] =	vst v63  }
0xd7: {  	_ = 	snop  }
0xd8: {  	[tilespmem:s30], [sflag:$0x1] =	stream.indirect_vreg.gather [hbm4b:s1+s3], $0x80, v13, vm0, $0xb8;
	[tilespmem:$0x10200] =	vst v63  }
0xd9: {  	_ = 	snop  }
0xda: {  	[tilespmem:s31], [sflag:$0x1] =	stream.indirect_vreg.gather [hbm4b:s5+s3], $0x80, v13, vm0, $0xb8;
	[tilespmem:$0x10200] =	vst v63  }
0xdb: {  	_ = 	snop  }
0xdc: {  	[tilespmem:s22], [sflag:$0x1] =	stream.indirect_vreg.gather [hbm4b:s6+s3], $0x80, v13, vm0, $0xb8;
	[tilespmem:$0x10200] =	vst v63  }
0xdd: {  	s22 =	simm.s32 $0x3A00  }
0xde: {  	[tilespmem:s22], [sflag:$0x1] =	stream.indirect_vreg.gather [hbm4b:s7+s3], $0x80, v13, vm0, $0xb8;
	[tilespmem:$0x10200] =	vst v63  }
0xdf: {  	v13 =	vld [tilespmem:$0x190];
	_ =	sdelay $0x4  }
0xe0: {  	v14 =	vshll.u32 v13, $0x3  }
0xe1: {  	v13 =	vand.u32 $0x7, v13;
	v14 =	vand.u32 $0xFFFFFFC0, v14  }
0xe2: {  	v13 =	vor.u32 v13, v14  }
0xe3: {  	v14 =	vperm.xlane v13, v5;
	_ =	sdelay $0x1  }
0xe4: {  	v14 =	vadd.s32 v7, v14;
	_ =	sdelay $0x4  }
0xe5: {  	[tilespmem:s20], [sflag:$0x1] =	stream.indirect_vreg.gather [hbm4b:s1+s3], $0x80, v14, vm0, $0xb8;
	[tilespmem:$0x10200] =	vst v63  }
0xe6: {  	v13 =	vperm.xlane v13, v6  }
0xe7: {  	[tilespmem:s21], [sflag:$0x1] =	stream.indirect_vreg.gather [hbm4b:s5+s3], $0x80, v14, vm0, $0xb8;
	[tilespmem:$0x10200] =	vst v63  }
0xe8: {  	s22 =	simm.s32 $0x5200;
	v13 =	vadd.s32 v7, v13  }
0xe9: {  	[tilespmem:s22], [sflag:$0x1] =	stream.indirect_vreg.gather [hbm4b:s6+s3], $0x80, v14, vm0, $0xb8;
	[tilespmem:$0x10200] =	vst v63  }
0xea: {  	_ = 	snop  }
0xeb: {  	[tilespmem:s0], [sflag:$0x1] =	stream.indirect_vreg.gather [hbm4b:s7+s3], $0x80, v14, vm0, $0xb8;
	[tilespmem:$0x10200] =	vst v63  }
0xec: {  	s20 =	simm.s32 $0x6200  }
0xed: {  	[tilespmem:s20], [sflag:$0x1] =	stream.indirect_vreg.gather [hbm4b:s1+s3], $0x80, v13, vm0, $0xb8;
	[tilespmem:$0x10200] =	vst v63  }
0xee: {  	s22 =	simm.s32 $0x6A00  }
0xef: {  	[tilespmem:s22], [sflag:$0x1] =	stream.indirect_vreg.gather [hbm4b:s5+s3], $0x80, v13, vm0, $0xb8;
	[tilespmem:$0x10200] =	vst v63  }
0xf0: {  	s22 =	simm.s32 $0x7200  }
0xf1: {  	[tilespmem:s22], [sflag:$0x1] =	stream.indirect_vreg.gather [hbm4b:s6+s3], $0x80, v13, vm0, $0xb8;
	[tilespmem:$0x10200] =	vst v63  }
0xf2: {  	_ = 	snop  }
0xf3: {  	[tilespmem:s2], [sflag:$0x1] =	stream.indirect_vreg.gather [hbm4b:s7+s3], $0x80, v13, vm0, $0xb8;
	[tilespmem:$0x10200] =	vst v63  }
0xf4: {  	v13 =	vld [tilespmem:$0x1A0];
	_ =	sdelay $0x4  }
0xf5: {  	v14 =	vshll.u32 v13, $0x3  }
0xf6: {  	v13 =	vand.u32 $0x7, v13;
	v14 =	vand.u32 $0xFFFFFFC0, v14  }
0xf7: {  	v13 =	vor.u32 v13, v14  }
0xf8: {  	v14 =	vperm.xlane v13, v5;
	_ =	sdelay $0x1  }
0xf9: {  	v14 =	vadd.s32 v7, v14;
	_ =	sdelay $0x3  }
0xfa: {  	s22 =	simm.s32 $0x8200  }
0xfb: {  	[tilespmem:s22], [sflag:$0x1] =	stream.indirect_vreg.gather [hbm4b:s1+s3], $0x80, v14, vm0, $0xb8;
	[tilespmem:$0x10200] =	vst v63  }
0xfc: {  	s0 =	simm.s32 $0x8A00;
	v13 =	vperm.xlane v13, v6  }
0xfd: {  	[tilespmem:s0], [sflag:$0x1] =	stream.indirect_vreg.gather [hbm4b:s5+s3], $0x80, v14, vm0, $0xb8;
	[tilespmem:$0x10200] =	vst v63  }
0xfe: {  	v13 =	vadd.s32 v7, v13  }
0xff: {  	[tilespmem:s23], [sflag:$0x1] =	stream.indirect_vreg.gather [hbm4b:s6+s3], $0x80, v14, vm0, $0xb8;
	[tilespmem:$0x10200] =	vst v63  }
0x100: {  	_ = 	snop  }
0x101: {  	[tilespmem:s25], [sflag:$0x1] =	stream.indirect_vreg.gather [hbm4b:s7+s3], $0x80, v14, vm0, $0xb8;
	[tilespmem:$0x10200] =	vst v63  }
0x102: {  	_ = 	snop  }
0x103: {  	[tilespmem:s16], [sflag:$0x1] =	stream.indirect_vreg.gather [hbm4b:s1+s3], $0x80, v13, vm0, $0xb8;
	[tilespmem:$0x10200] =	vst v63  }
0x104: {  	s0 =	simm.s32 $0xAA00  }
0x105: {  	[tilespmem:s0], [sflag:$0x1] =	stream.indirect_vreg.gather [hbm4b:s5+s3], $0x80, v13, vm0, $0xb8;
	[tilespmem:$0x10200] =	vst v63  }
0x106: {  	_ = 	snop  }
0x107: {  	[tilespmem:s12], [sflag:$0x1] =	stream.indirect_vreg.gather [hbm4b:s6+s3], $0x80, v13, vm0, $0xb8;
	[tilespmem:$0x10200] =	vst v63  }
0x108: {  	_ = 	snop  }
0x109: {  	[tilespmem:s18], [sflag:$0x1] =	stream.indirect_vreg.gather [hbm4b:s7+s3], $0x80, v13, vm0, $0xb8;
	[tilespmem:$0x10200] =	vst v63  }
0x10a: {  	v13 =	vld [tilespmem:$0x1B0];
	_ =	sdelay $0x4  }
0x10b: {  	v14 =	vshll.u32 v13, $0x3  }
0x10c: {  	v13 =	vand.u32 $0x7, v13;
	v14 =	vand.u32 $0xFFFFFFC0, v14  }
0x10d: {  	v13 =	vor.u32 v13, v14  }
0x10e: {  	v14 =	vperm.xlane v13, v5;
	_ =	sdelay $0x1  }
0x10f: {  	v14 =	vadd.s32 v7, v14;
	_ =	sdelay $0x4  }
0x110: {  	[tilespmem:s17], [sflag:$0x1] =	stream.indirect_vreg.gather [hbm4b:s1+s3], $0x80, v14, vm0, $0xb8;
	[tilespmem:$0x10200] =	vst v63  }
0x111: {  	v13 =	vperm.xlane v13, v6  }
0x112: {  	[tilespmem:s19], [sflag:$0x1] =	stream.indirect_vreg.gather [hbm4b:s5+s3], $0x80, v14, vm0, $0xb8;
	[tilespmem:$0x10200] =	vst v63  }
0x113: {  	v13 =	vadd.s32 v7, v13  }
0x114: {  	[tilespmem:s13], [sflag:$0x1] =	stream.indirect_vreg.gather [hbm4b:s6+s3], $0x80, v14, vm0, $0xb8;
	[tilespmem:$0x10200] =	vst v63  }
0x115: {  	s0 =	simm.s32 $0xDA00  }
0x116: {  	[tilespmem:s0], [sflag:$0x1] =	stream.indirect_vreg.gather [hbm4b:s7+s3], $0x80, v14, vm0, $0xb8;
	[tilespmem:$0x10200] =	vst v63  }
0x117: {  	_ = 	snop  }
0x118: {  	[tilespmem:s14], [sflag:$0x1] =	stream.indirect_vreg.gather [hbm4b:s1+s3], $0x80, v13, vm0, $0xb8;
	[tilespmem:$0x10200] =	vst v63  }
0x119: {  	s0 =	simm.s32 $0xEA00  }
0x11a: {  	[tilespmem:s0], [sflag:$0x1] =	stream.indirect_vreg.gather [hbm4b:s5+s3], $0x80, v13, vm0, $0xb8;
	[tilespmem:$0x10200] =	vst v63  }
0x11b: {  	_ = 	snop  }
0x11c: {  	[tilespmem:s15], [sflag:$0x1] =	stream.indirect_vreg.gather [hbm4b:s6+s3], $0x80, v13, vm0, $0xb8;
	[tilespmem:$0x10200] =	vst v63  }
0x11d: {  	s0 =	simm.s32 $0xFA00  }
0x11e: {  	[tilespmem:s0], [sflag:$0x1] =	stream.indirect_vreg.gather [hbm4b:s7+s3], $0x80, v13, vm0, $0xb8;
	[tilespmem:$0x10200] =	vst v63  }
0x11f: {  	_ =	swait.ge [sflag:s24], $0x10000  }
0x120: {  	[sflag:s24] =	ssyncset.done $0x0  }
0x121: {  	[sflag:s24] =	ssyncadd.s32 $0xFFFF0000  }
0x122: {  	v13 =	vld [tilespmem:$0x80];
	_ =	sdelay $0x4  }
0x123: {  	v14 =	vshll.u32 v13, $0x3  }
0x124: {  	v13 =	vand.u32 $0x7, v13;
	v14 =	vand.u32 $0xFFFFFFC0, v14  }
0x125: {  	v13 =	vor.u32 v13, v14  }
0x126: {  	v14 =	vperm.xlane v13, v5;
	_ =	sdelay $0x1  }
0x127: {  	v14 =	vadd.s32 v7, v14;
	_ =	sdelay $0x4  }
0x128: {  	[hbm4b:s4+s3] =	stream.indirect_vreg.scatter [tilespmem:s26], [sflag:$0x1], $0x80, v14, vm0, $0xb8;
	[tilespmem:$0x10200] =	vst v63  }
0x129: {  	v13 =	vperm.xlane v13, v6  }
0x12a: {  	[hbm4b:s8+s3] =	stream.indirect_vreg.scatter [tilespmem:s28], [sflag:$0x1], $0x80, v14, vm0, $0xb8;
	[tilespmem:$0x10200] =	vst v63  }
0x12b: {  	v13 =	vadd.s32 v7, v13;
	s26 =	simm.s32 $0x1200  }
0x12c: {  	[hbm4b:s9+s3] =	stream.indirect_vreg.scatter [tilespmem:s26], [sflag:$0x1], $0x80, v14, vm0, $0xb8;
	[tilespmem:$0x10200] =	vst v63  }
0x12d: {  	_ = 	snop  }
0x12e: {  	[hbm4b:s10+s3] =	stream.indirect_vreg.scatter [tilespmem:s29], [sflag:$0x1], $0x80, v14, vm0, $0xb8;
	[tilespmem:$0x10200] =	vst v63  }
0x12f: {  	_ = 	snop  }
0x130: {  	[hbm4b:s4+s3] =	stream.indirect_vreg.scatter [tilespmem:s30], [sflag:$0x1], $0x80, v13, vm0, $0xb8;
	[tilespmem:$0x10200] =	vst v63  }
0x131: {  	_ = 	snop  }
0x132: {  	[hbm4b:s8+s3] =	stream.indirect_vreg.scatter [tilespmem:s31], [sflag:$0x1], $0x80, v13, vm0, $0xb8;
	[tilespmem:$0x10200] =	vst v63  }
0x133: {  	s29 =	simm.s32 $0x3200  }
0x134: {  	[hbm4b:s9+s3] =	stream.indirect_vreg.scatter [tilespmem:s29], [sflag:$0x1], $0x80, v13, vm0, $0xb8;
	[tilespmem:$0x10200] =	vst v63  }
0x135: {  	s29 =	simm.s32 $0x3A00  }
0x136: {  	[hbm4b:s10+s3] =	stream.indirect_vreg.scatter [tilespmem:s29], [sflag:$0x1], $0x80, v13, vm0, $0xb8;
	[tilespmem:$0x10200] =	vst v63  }
0x137: {  	v13 =	vld [tilespmem:$0x90];
	_ =	sdelay $0x4  }
0x138: {  	v14 =	vshll.u32 v13, $0x3  }
0x139: {  	v13 =	vand.u32 $0x7, v13;
	v14 =	vand.u32 $0xFFFFFFC0, v14  }
0x13a: {  	v13 =	vor.u32 v13, v14  }
0x13b: {  	v14 =	vperm.xlane v13, v5;
	_ =	sdelay $0x1  }
0x13c: {  	v14 =	vadd.s32 v7, v14;
	_ =	sdelay $0x3  }
0x13d: {  	s29 =	simm.s32 $0x4200  }
0x13e: {  	[hbm4b:s4+s3] =	stream.indirect_vreg.scatter [tilespmem:s29], [sflag:$0x1], $0x80, v14, vm0, $0xb8;
	[tilespmem:$0x10200] =	vst v63  }
0x13f: {  	s21 =	simm.s32 $0x4A00;
	v13 =	vperm.xlane v13, v6  }
0x140: {  	[hbm4b:s8+s3] =	stream.indirect_vreg.scatter [tilespmem:s21], [sflag:$0x1], $0x80, v14, vm0, $0xb8;
	[tilespmem:$0x10200] =	vst v63  }
0x141: {  	v13 =	vadd.s32 v7, v13;
	s29 =	simm.s32 $0x5200  }
0x142: {  	[hbm4b:s9+s3] =	stream.indirect_vreg.scatter [tilespmem:s29], [sflag:$0x1], $0x80, v14, vm0, $0xb8;
	[tilespmem:$0x10200] =	vst v63  }
0x143: {  	s26 =	simm.s32 $0x5A00  }
0x144: {  	[hbm4b:s10+s3] =	stream.indirect_vreg.scatter [tilespmem:s26], [sflag:$0x1], $0x80, v14, vm0, $0xb8;
	[tilespmem:$0x10200] =	vst v63  }
0x145: {  	_ = 	snop  }
0x146: {  	[hbm4b:s4+s3] =	stream.indirect_vreg.scatter [tilespmem:s20], [sflag:$0x1], $0x80, v13, vm0, $0xb8;
	[tilespmem:$0x10200] =	vst v63  }
0x147: {  	s29 =	simm.s32 $0x6A00  }
0x148: {  	[hbm4b:s8+s3] =	stream.indirect_vreg.scatter [tilespmem:s29], [sflag:$0x1], $0x80, v13, vm0, $0xb8;
	[tilespmem:$0x10200] =	vst v63  }
0x149: {  	s21 =	simm.s32 $0x7200  }
0x14a: {  	[hbm4b:s9+s3] =	stream.indirect_vreg.scatter [tilespmem:s21], [sflag:$0x1], $0x80, v13, vm0, $0xb8;
	[tilespmem:$0x10200] =	vst v63  }
0x14b: {  	s2 =	simm.s32 $0x7A00  }
0x14c: {  	[hbm4b:s10+s3] =	stream.indirect_vreg.scatter [tilespmem:s2], [sflag:$0x1], $0x80, v13, vm0, $0xb8;
	[tilespmem:$0x10200] =	vst v63  }
0x14d: {  	v13 =	vld [tilespmem:$0xA0];
	_ =	sdelay $0x4  }
0x14e: {  	v14 =	vshll.u32 v13, $0x3  }
0x14f: {  	v13 =	vand.u32 $0x7, v13;
	v14 =	vand.u32 $0xFFFFFFC0, v14  }
0x150: {  	v13 =	vor.u32 v13, v14  }
0x151: {  	v14 =	vperm.xlane v13, v5;
	_ =	sdelay $0x1  }
0x152: {  	v14 =	vadd.s32 v7, v14;
	_ =	sdelay $0x4  }
0x153: {  	[hbm4b:s4+s3] =	stream.indirect_vreg.scatter [tilespmem:s22], [sflag:$0x1], $0x80, v14, vm0, $0xb8;
	[tilespmem:$0x10200] =	vst v63  }
0x154: {  	v13 =	vperm.xlane v13, v6;
	s22 =	simm.s32 $0x8A00  }
0x155: {  	[hbm4b:s8+s3] =	stream.indirect_vreg.scatter [tilespmem:s22], [sflag:$0x1], $0x80, v14, vm0, $0xb8;
	[tilespmem:$0x10200] =	vst v63  }
0x156: {  	s23 =	simm.s32 $0x9200;
	v13 =	vadd.s32 v7, v13  }
0x157: {  	[hbm4b:s9+s3] =	stream.indirect_vreg.scatter [tilespmem:s23], [sflag:$0x1], $0x80, v14, vm0, $0xb8;
	[tilespmem:$0x10200] =	vst v63  }
0x158: {  	s25 =	simm.s32 $0x9A00  }
0x159: {  	[hbm4b:s10+s3] =	stream.indirect_vreg.scatter [tilespmem:s25], [sflag:$0x1], $0x80, v14, vm0, $0xb8;
	[tilespmem:$0x10200] =	vst v63  }
0x15a: {  	s25 =	simm.s32 $0xA200  }
0x15b: {  	[hbm4b:s4+s3] =	stream.indirect_vreg.scatter [tilespmem:s25], [sflag:$0x1], $0x80, v13, vm0, $0xb8;
	[tilespmem:$0x10200] =	vst v63  }
0x15c: {  	s26 =	simm.s32 $0xAA00  }
0x15d: {  	[hbm4b:s8+s3] =	stream.indirect_vreg.scatter [tilespmem:s26], [sflag:$0x1], $0x80, v13, vm0, $0xb8;
	[tilespmem:$0x10200] =	vst v63  }
0x15e: {  	s12 =	simm.s32 $0xB200  }
0x15f: {  	[hbm4b:s9+s3] =	stream.indirect_vreg.scatter [tilespmem:s12], [sflag:$0x1], $0x80, v13, vm0, $0xb8;
	[tilespmem:$0x10200] =	vst v63  }
0x160: {  	s18 =	simm.s32 $0xBA00  }
0x161: {  	[hbm4b:s10+s3] =	stream.indirect_vreg.scatter [tilespmem:s18], [sflag:$0x1], $0x80, v13, vm0, $0xb8;
	[tilespmem:$0x10200] =	vst v63  }
0x162: {  	v13 =	vld [tilespmem:$0xB0];
	_ =	sdelay $0x4  }
0x163: {  	v14 =	vshll.u32 v13, $0x3  }
0x164: {  	v13 =	vand.u32 $0x7, v13;
	v14 =	vand.u32 $0xFFFFFFC0, v14  }
0x165: {  	v13 =	vor.u32 v13, v14  }
0x166: {  	v14 =	vperm.xlane v13, v5;
	_ =	sdelay $0x1  }
0x167: {  	v14 =	vadd.s32 v7, v14;
	_ =	sdelay $0x3  }
0x168: {  	s16 =	simm.s32 $0xC200  }
0x169: {  	[hbm4b:s4+s3] =	stream.indirect_vreg.scatter [tilespmem:s16], [sflag:$0x1], $0x80, v14, vm0, $0xb8;
	[tilespmem:$0x10200] =	vst v63  }
0x16a: {  	s17 =	simm.s32 $0xCA00;
	v13 =	vperm.xlane v13, v6  }
0x16b: {  	[hbm4b:s8+s3] =	stream.indirect_vreg.scatter [tilespmem:s17], [sflag:$0x1], $0x80, v14, vm0, $0xb8;
	[tilespmem:$0x10200] =	vst v63  }
0x16c: {  	s13 =	simm.s32 $0xD200;
	v13 =	vadd.s32 v7, v13  }
0x16d: {  	[hbm4b:s9+s3] =	stream.indirect_vreg.scatter [tilespmem:s13], [sflag:$0x1], $0x80, v14, vm0, $0xb8;
	[tilespmem:$0x10200] =	vst v63  }
0x16e: {  	s19 =	simm.s32 $0xDA00  }
0x16f: {  	[hbm4b:s10+s3] =	stream.indirect_vreg.scatter [tilespmem:s19], [sflag:$0x1], $0x80, v14, vm0, $0xb8;
	[tilespmem:$0x10200] =	vst v63  }
0x170: {  	s14 =	simm.s32 $0xE200  }
0x171: {  	[hbm4b:s4+s3] =	stream.indirect_vreg.scatter [tilespmem:s14], [sflag:$0x1], $0x80, v13, vm0, $0xb8;
	[tilespmem:$0x10200] =	vst v63  }
0x172: {  	s29 =	simm.s32 $0xEA00  }
0x173: {  	[hbm4b:s8+s3] =	stream.indirect_vreg.scatter [tilespmem:s29], [sflag:$0x1], $0x80, v13, vm0, $0xb8;
	[tilespmem:$0x10200] =	vst v63  }
0x174: {  	p0 =	sne.s32 s11, $0x1;
	s15 =	simm.s32 $0xF200  }
0x175: {  	[hbm4b:s9+s3] =	stream.indirect_vreg.scatter [tilespmem:s15], [sflag:$0x1], $0x80, v13, vm0, $0xb8;
	[tilespmem:$0x10200] =	vst v63  }
.Ltmp0:
0x176: {  	_ = 	snop;
	(pc) =	sbr.rel @p0 .LBB2_1-.Ltmp0, $4  }
0x177: {  	[hbm4b:s10+s3] =	stream.indirect_vreg.scatter [tilespmem:s0], [sflag:$0x1], $0x80, v13, vm0, $0xb8;
	[tilespmem:$0x10200] =	vst v63  }
0x178: {  	_ =	swait.ge [sflag:s24], $0x10000  }
0x179: {  	[sflag:s24] =	ssyncset.done $0x0  }
0x17a: {  	s11 =	sadd.s32 $0xFFFFFFFF, s11;
	[sflag:s24] =	ssyncadd.s32 $0xFFFF0000  }
0x17b: {  	_ =	sfence.sel $0x180000  }
0x17c: {  	[bflag:$0x0] =	sbarrier.arrive $0xFFFF  }
0x17d: {  	_ =	strace $0x90000047  }
0x17e: {  	s0 =	stileid.u32;
	[bflag:$0x2] =	sbarrier.arrive $0xFFFF  }
0x17f: {  	p0 =	sne.s32 s0, $0x0;
	s0 =	rddreg [dreg:$0x3]  }
0x180: {  	s0 =	sadd.s32 @!p0 $0x100000, s0  }
0x181: {  	[sflag:s0] =	ssyncadd.tile.s32 @!p0 $0x1;
	_ =	shalt  }
.Lfunc_end2:
_tile_overlayer_lowered:
.L_overlay_start_2:
0x182: {  	(tag) =	ssettag $0x2  }
0x183: {  	s0 =	rddreg [dreg:$0x0];
	s2 =	stileid.u32  }
0x184: {  	s1 =	rddreg [dreg:$0x1];
	p0 =	sne.s32 s2, $0x0  }
0x185: {  	s3 =	rddreg [dreg:$0x2];
	[bflag:$0x3] =	sbarrier.arrive $0xFFFF;
	s2 =	simm.s32 @!p0 $0x1C02  }
0x186: {  	[timem:s3], [sflag:s2] =	dma.local @!p0 [hbm:s0], s1  }
0x187: {  	s0 =	simm.s32 @!p0 $0x2  }
0x188: {  	_ =	swait.ge @!p0 [sflag:s0], s1  }
0x189: {  	s1 =	ssub.s32 @!p0 $0x0, s1;
	[sflag:s0] =	ssyncset.done @!p0 $0x0  }
0x18a: {  	[sflag:s0] =	ssyncadd.s32 @!p0 s1  }
0x18b: {  	[bflag:$0x3] =	sbarrier.arrive $0xFFFF  }
0x18c: {  	_ =	shalt  }

</sc_bundles>
